<compile_context>
chip_gen: v7x
topology: tpu7x:2x2x1
jax: 0.10.2.dev20260603
libtpu: 0.0.44.dev20260713+nightly
codegen_flags: <defaults>
</compile_context>

<pallas_src>
import functools

import jax
import jax.numpy as jnp
from jax import lax
from jax.experimental import pallas as pl
from jax.experimental.pallas import tpu as pltpu
from jax.experimental.pallas import tpu_sc as plsc

N = 10000
D = 128
E = 320000

NC = 2
NS = 16
NW = NC * NS
G = E // 128
GT = G // NW
GX = G - GT * NW
CH = 80
ROWS = 624
ROWS_LAST = N - (NS - 1) * ROWS


def _copy_rows(src, dst, s):
    lo = s * ROWS

    @pl.when(s < NS - 1)
    def _():
        pltpu.sync_copy(src.at[pl.ds(lo, ROWS)], dst.at[pl.ds(lo, ROWS)])

    @pl.when(s == NS - 1)
    def _():
        base = (NS - 1) * ROWS
        pltpu.sync_copy(src.at[pl.ds(base, ROWS_LAST)],
                        dst.at[pl.ds(base, ROWS_LAST)])

_mesh = plsc.VectorSubcoreMesh(core_axis_name="c", subcore_axis_name="s")


@functools.partial(
    pl.kernel,
    out_type=(
        jax.ShapeDtypeStruct((N, 16), jnp.float32),
        jax.ShapeDtypeStruct((N, 16), jnp.float32),
    ),
    mesh=_mesh,
    scratch_types=[
        pltpu.VMEM((GT + 1, 2, 128), jnp.int32),
        pltpu.VMEM((128, 16), jnp.float32),
        pltpu.VMEM_SHARED((N, 16), jnp.float32),
        pltpu.SemaphoreType.DMA,
    ],
    compiler_params=pltpu.CompilerParams(use_tc_tiling_on_sc=False),
)
def _deg_kernel(e3_hbm, ones_hbm, zeros_hbm, d0_hbm, d1_hbm,
                e3_v, ones_v, acc, sem):
    c = lax.axis_index("c")
    s = lax.axis_index("s")
    t = c * NS + s
    g0 = t * GT + jnp.minimum(t, GX)
    d1 = pltpu.async_copy(ones_hbm, ones_v, sem)
    d2 = pltpu.async_copy(e3_hbm.at[pl.ds(g0, GT)], e3_v.at[pl.ds(0, GT)], sem)
    _copy_rows(zeros_hbm, acc, s)
    d1.wait()
    d2.wait()

    @pl.when(t < GX)
    def _():
        pltpu.sync_copy(e3_hbm.at[pl.ds(g0 + GT, 1)],
                        e3_v.at[pl.ds(GT, 1)])

    plsc.subcore_barrier()

    @pl.loop(0, GT)
    def _(g):
        pltpu.async_copy(ones_v, acc.at[e3_v.at[g, 1]], sem, add=True)

    @pl.when(t < GX)
    def _():
        pltpu.async_copy(ones_v, acc.at[e3_v.at[GT, 1]], sem, add=True)

    @pl.loop(0, GT)
    def _(g):
        pltpu.make_async_copy(ones_v, acc.at[e3_v.at[0, 1]], sem).wait()

    @pl.when(t < GX)
    def _():
        pltpu.make_async_copy(ones_v, acc.at[e3_v.at[0, 1]], sem).wait()

    plsc.subcore_barrier()

    @pl.when(c == 0)
    def _():
        _copy_rows(acc, d0_hbm, s)

    @pl.when(c == 1)
    def _():
        _copy_rows(acc, d1_hbm, s)


@functools.partial(
    pl.kernel,
    out_type=(
        jax.ShapeDtypeStruct((N, D), jnp.float32),
        jax.ShapeDtypeStruct((N, D), jnp.float32),
    ),
    mesh=_mesh,
    scratch_types=[
        pltpu.VMEM((4, 2, 128), jnp.int32),
        pltpu.VMEM((2, 128, D), jnp.float32),
        pltpu.VMEM_SHARED((N, D), jnp.float32),
        pltpu.SemaphoreType.DMA,
        pltpu.SemaphoreType.DMA,
    ],
    compiler_params=pltpu.CompilerParams(use_tc_tiling_on_sc=False),
)
def _agg_kernel(hp_hbm, e3_hbm, s0_hbm, s1_hbm,
                idx_v, rows_v, acc, gsem, isem):
    c = lax.axis_index("c")
    s = lax.axis_index("s")
    t = c * NS + s
    g0 = t * GT + jnp.minimum(t, GX)
    gg = GT + (t < GX).astype(jnp.int32)

    for m in range(3):
        pltpu.async_copy(e3_hbm.at[pl.ds(g0 + m, 1)], idx_v.at[pl.ds(m, 1)],
                         isem)

    @pl.when(c == 0)
    def _():
        _copy_rows(hp_hbm, acc, s)

    @pl.when(c == 1)
    def _():
        z = jnp.zeros((16,), jnp.float32)

        @pl.loop(0, 128)
        def _(r):
            for l in range(D // 16):
                rows_v[0, r, pl.ds(16 * l, 16)] = z

        lo = s * ROWS
        for k in range(ROWS // 128):
            pltpu.sync_copy(rows_v.at[0], acc.at[pl.ds(lo + k * 128, 128)])
        rem = ROWS % 128
        if rem:
            pltpu.sync_copy(rows_v.at[0].at[pl.ds(0, rem)],
                            acc.at[pl.ds(lo + (ROWS // 128) * 128, rem)])

        @pl.when(s == NS - 1)
        def _():
            base = (NS - 1) * ROWS + ROWS
            extra = ROWS_LAST - ROWS
            pltpu.sync_copy(rows_v.at[0].at[pl.ds(0, extra)],
                            acc.at[pl.ds(base, extra)])

    pltpu.make_async_copy(e3_hbm.at[pl.ds(g0, 1)], idx_v.at[pl.ds(0, 1)],
                          isem).wait()
    pltpu.async_copy(hp_hbm.at[idx_v.at[0, 0]], rows_v.at[0], gsem)
    plsc.subcore_barrier()

    @pl.loop(0, gg)
    def _(g):
        m = g % 4
        b = g % 2

        @pl.when(g + 1 < gg)
        def _():
            mn = (g + 1) % 4
            pltpu.make_async_copy(e3_hbm.at[pl.ds(g0 + g + 1, 1)],
                                  idx_v.at[pl.ds(mn, 1)], isem).wait()
            pltpu.async_copy(hp_hbm.at[idx_v.at[mn, 0]], rows_v.at[1 - b],
                             gsem)

        @pl.when(g + 3 < gg)
        def _():
            mf = (g + 3) % 4
            pltpu.async_copy(e3_hbm.at[pl.ds(g0 + g + 3, 1)],
                             idx_v.at[pl.ds(mf, 1)], isem)

        pltpu.make_async_copy(hp_hbm.at[idx_v.at[m, 0]], rows_v.at[b],
                              gsem).wait()
        pltpu.sync_copy(rows_v.at[b], acc.at[idx_v.at[m, 1]], add=True)

    plsc.subcore_barrier()

    @pl.when(c == 0)
    def _():
        _copy_rows(acc, s0_hbm, s)

    @pl.when(c == 1)
    def _():
        _copy_rows(acc, s1_hbm, s)


_BM = 1000


def _mm_body(x_ref, w_ref, d0_ref, d1_ref, hp_ref, dinv_ref):
    deg = d0_ref[...] + d1_ref[...] + 1.0
    dinv8 = lax.rsqrt(deg)
    h = jnp.dot(x_ref[...], w_ref[...], preferred_element_type=jnp.float32)
    hp_ref[...] = h * dinv8[:, 0:1]
    dinv_ref[...] = dinv8


def _combine_body(s0_ref, s1_ref, dinv_ref, b_ref, o_ref):
    tot = s0_ref[...] + s1_ref[...]
    o_ref[...] = jnp.maximum(tot * dinv_ref[:, 0:1] + b_ref[...], 0.0)


def kernel(x, edge_index, W, b):
    e3 = edge_index.reshape(2, G, 128).transpose(1, 0, 2)
    ones8 = jnp.ones((128, 16), jnp.float32)
    zeros8 = jnp.zeros((N, 16), jnp.float32)

    d0, d1 = _deg_kernel(e3, ones8, zeros8)

    hp, dinv8 = pl.pallas_call(
        _mm_body,
        grid=(N // _BM,),
        in_specs=[
            pl.BlockSpec((_BM, D), lambda i: (i, 0)),
            pl.BlockSpec((D, D), lambda i: (0, 0)),
            pl.BlockSpec((_BM, 16), lambda i: (i, 0)),
            pl.BlockSpec((_BM, 16), lambda i: (i, 0)),
        ],
        out_specs=[
            pl.BlockSpec((_BM, D), lambda i: (i, 0)),
            pl.BlockSpec((_BM, 16), lambda i: (i, 0)),
        ],
        out_shape=[
            jax.ShapeDtypeStruct((N, D), jnp.float32),
            jax.ShapeDtypeStruct((N, 16), jnp.float32),
        ],
    )(x, W, d0, d1)

    s0, s1 = _agg_kernel(hp, e3)

    out = pl.pallas_call(
        _combine_body,
        grid=(N // _BM,),
        in_specs=[
            pl.BlockSpec((_BM, D), lambda i: (i, 0)),
            pl.BlockSpec((_BM, D), lambda i: (i, 0)),
            pl.BlockSpec((_BM, 16), lambda i: (i, 0)),
            pl.BlockSpec((D,), lambda i: (0,)),
        ],
        out_specs=pl.BlockSpec((_BM, D), lambda i: (i, 0)),
        out_shape=jax.ShapeDtypeStruct((N, D), jnp.float32),
    )(s0, s1, dinv8, b)
    return out

# --- scband reference (transcript-rebuilt; emitter-appended) ---
"""Pipeline reference for scband-odddeep-cdr-6365141532852 (READ-ONLY COPY).

The authoritative reference and input builder live on the scoring server;
editing this copy changes nothing except your own understanding.
"""

import jax, jax.numpy as jnp
import numpy as np

N = 10000
E = 320000
D = 128

def setup_inputs(seed: int = 0) -> dict:
    key = jax.random.key(seed)
    k1, k2, k3, k4 = jax.random.split(key, 4)
    x = jax.random.normal(k1, (N, D), dtype=jnp.float32)
    edge_index = jax.random.randint(k2, (2, E), 0, N, dtype=jnp.int32)
    # GCNConv learned params: weight [D_in, D_out], bias [D_out]
    scale = float(np.sqrt(6.0 / (D + D)))
    W = jax.random.uniform(k3, (D, D), dtype=jnp.float32, minval=-scale, maxval=scale)
    b = jnp.zeros((D,), dtype=jnp.float32)
    return {"x": x, "edge_index": edge_index, "W": W, "b": b}

def reference(x, edge_index, W, b):
    # Faithful GCNConv (torch_geometric semantics): add self-loops,
    # symmetric degree normalization, linear transform, scatter-add aggregate.
    n = x.shape[0]
    self_loops = jnp.arange(n, dtype=edge_index.dtype)
    src = jnp.concatenate([edge_index[0], self_loops])
    dst = jnp.concatenate([edge_index[1], self_loops])
    ones = jnp.ones(src.shape[0], dtype=x.dtype)
    deg = jax.ops.segment_sum(ones, dst, num_segments=n)
    deg_inv_sqrt = jnp.where(deg > 0, jax.lax.rsqrt(deg), 0.0)
    norm = deg_inv_sqrt[src] * deg_inv_sqrt[dst]
    h = x @ W  # [N, D]
    msg = h[src] * norm[:, None]  # gather
    agg = jax.ops.segment_sum(msg, dst, num_segments=n)  # scatter-add
    out = agg + b
    # GNN.forward: activate_func (ReLU) then dropout (identity in eval)
    out = jax.nn.relu(out)
    return out

if __name__ == "__main__":
    import jax
    _d = setup_inputs()
    print(jax.jit(kernel)(*tuple(_d.values())))

</pallas_src>

<mosaic_0001>
#map = affine_map<(d0, d1) -> (0, 0, 0)>
#map1 = affine_map<(d0, d1) -> (0, 0)>
module attributes {stable_mosaic.version = 14 : i64} {
  func.func @_deg_kernel(%arg0: i32, %arg1: i32, %arg2: memref<2500x2x128xi32, #tpu.memory_space<hbm>>, %arg3: memref<128x16xf32, #tpu.memory_space<hbm>>, %arg4: memref<10000x16xf32, #tpu.memory_space<hbm>>, %arg5: memref<10000x16xf32, #tpu.memory_space<hbm>>, %arg6: memref<10000x16xf32, #tpu.memory_space<hbm>>, %arg7: memref<79x2x128xi32, #tpu.memory_space<vmem>>, %arg8: memref<128x16xf32, #tpu.memory_space<vmem>>, %arg9: memref<10000x16xf32, #tpu.memory_space<vmem_shared>>, %arg10: memref<!tpu.dma_semaphore, #tpu.memory_space<semaphore_mem>>) attributes {dimension_semantics = [#tpu.dimension_semantics<core_parallel>, #tpu.dimension_semantics<subcore_parallel>], iteration_bounds = array<i64: 2, 16>, scalar_prefetch = 0 : i64, scratch_operands = 4 : i64, tpu.core_type = #tpu.core_type<sc_vector_subcore>, window_params = [{transform_indices = #map}, {transform_indices = #map1}, {transform_indices = #map1}, {transform_indices = #map1}, {transform_indices = #map1}]} {
    %mul3A = arith.constant 16 : i32
    %mul3A_0 = arith.muli %arg0, %mul3A : i32
    %add3A = arith.addi %mul3A_0, %arg1 : i32
    %mul3A_1 = arith.constant 78 : i32
    %mul3A_2 = arith.muli %add3A, %mul3A_1 : i32
    %min3A = arith.constant 4 : i32
    %min3A_3 = arith.minsi %add3A, %min3A : i32
    %add3A_4 = arith.addi %mul3A_2, %min3A_3 : i32
    tpu.enqueue_dma source(%arg3 : memref<128x16xf32, #tpu.memory_space<hbm>>) target(%arg8 : memref<128x16xf32, #tpu.memory_space<vmem>>) target_semaphore(%arg10 : memref<!tpu.dma_semaphore, #tpu.memory_space<semaphore_mem>>)
    %dma_start3A = arith.constant 0 : i32
    %dma_start3A_5 = arith.constant 0 : i32
    %dma_start3A_6 = arith.constant 0 : i32
    %dma_start3A_7 = tpu.memref_slice %arg7[%dma_start3A, %dma_start3A_5, %dma_start3A_6] : memref<79x2x128xi32, #tpu.memory_space<vmem>> -> memref<78x2x128xi32, #tpu.memory_space<vmem>>
    %dma_start3A_8 = arith.constant 0 : i32
    %dma_start3A_9 = arith.constant 0 : i32
    %dma_start3A_10 = tpu.memref_slice %arg2[%add3A_4, %dma_start3A_8, %dma_start3A_9] : memref<2500x2x128xi32, #tpu.memory_space<hbm>> -> memref<78x2x128xi32, #tpu.memory_space<hbm>>
    %dma_start3A_11 = arith.constant 0 : i32
    %dma_start3A_12 = arith.constant 0 : i32
    %dma_start3A_13 = arith.constant 0 : i32
    %dma_start3A_14 = tpu.memref_slice %arg7[%dma_start3A_11, %dma_start3A_12, %dma_start3A_13] : memref<79x2x128xi32, #tpu.memory_space<vmem>> -> memref<78x2x128xi32, #tpu.memory_space<vmem>>
    %dma_start3A_15 = arith.constant 0 : i32
    %dma_start3A_16 = arith.constant 0 : i32
    %dma_start3A_17 = tpu.memref_slice %arg2[%add3A_4, %dma_start3A_15, %dma_start3A_16] : memref<2500x2x128xi32, #tpu.memory_space<hbm>> -> memref<78x2x128xi32, #tpu.memory_space<hbm>>
    tpu.enqueue_dma source(%dma_start3A_17 : memref<78x2x128xi32, #tpu.memory_space<hbm>>) target(%dma_start3A_14 : memref<78x2x128xi32, #tpu.memory_space<vmem>>) target_semaphore(%arg10 : memref<!tpu.dma_semaphore, #tpu.memory_space<semaphore_mem>>)
    %mul3A_18 = arith.constant 624 : i32
    %mul3A_19 = arith.muli %arg1, %mul3A_18 : i32
    %lt3A = arith.constant 15 : i32
    %lt3A_20 = arith.cmpi slt, %arg1, %lt3A : i32
    %convert_element_type3A = arith.extui %lt3A_20 : i1 to i32
    %cond3A = arith.constant 0 : i32
    %cond3A_21 = arith.cmpi ne, %convert_element_type3A, %cond3A : i32
    scf.if %cond3A_21 {
      "tpu.region"() ({
        %run_scoped3A = tpu.sem_alloc : memref<!tpu.dma_semaphore, #tpu.memory_space<semaphore_mem>>
        %dma_start3A_74 = arith.constant 0 : i32
        %dma_start3A_75 = tpu.memref_slice %arg9[%mul3A_19, %dma_start3A_74] : memref<10000x16xf32, #tpu.memory_space<vmem_shared>> -> memref<624x16xf32, #tpu.memory_space<vmem_shared>>
        %dma_start3A_76 = arith.constant 0 : i32
        %dma_start3A_77 = tpu.memref_slice %arg4[%mul3A_19, %dma_start3A_76] : memref<10000x16xf32, #tpu.memory_space<hbm>> -> memref<624x16xf32, #tpu.memory_space<hbm>>
        tpu.enqueue_dma source(%dma_start3A_77 : memref<624x16xf32, #tpu.memory_space<hbm>>) target(%dma_start3A_75 : memref<624x16xf32, #tpu.memory_space<vmem_shared>>) target_semaphore(%run_scoped3A : memref<!tpu.dma_semaphore, #tpu.memory_space<semaphore_mem>>)
        %dma_wait3A_78 = arith.constant 0 : i32
        %dma_wait3A_79 = tpu.memref_slice %arg9[%mul3A_19, %dma_wait3A_78] : memref<10000x16xf32, #tpu.memory_space<vmem_shared>> -> memref<624x16xf32, #tpu.memory_space<vmem_shared>>
        %dma_wait3A_80 = arith.constant 0 : i32
        %dma_wait3A_81 = tpu.memref_slice %arg4[%mul3A_19, %dma_wait3A_80] : memref<10000x16xf32, #tpu.memory_space<hbm>> -> memref<624x16xf32, #tpu.memory_space<hbm>>
        tpu.wait_dma2 semaphore(%run_scoped3A : memref<!tpu.dma_semaphore, #tpu.memory_space<semaphore_mem>>) src(%dma_wait3A_81 : memref<624x16xf32, #tpu.memory_space<hbm>>) dst(%dma_wait3A_79 : memref<624x16xf32, #tpu.memory_space<vmem_shared>>)
        tpu.yield
      }) : () -> ()
    } else {
    }
    %eq3A = arith.constant 15 : i32
    %eq3A_22 = arith.cmpi eq, %arg1, %eq3A : i32
    %convert_element_type3A_23 = arith.extui %eq3A_22 : i1 to i32
    %cond3A_24 = arith.constant 0 : i32
    %cond3A_25 = arith.cmpi ne, %convert_element_type3A_23, %cond3A_24 : i32
    scf.if %cond3A_25 {
      "tpu.region"() ({
        %run_scoped3A = tpu.sem_alloc : memref<!tpu.dma_semaphore, #tpu.memory_space<semaphore_mem>>
        %dma_start3A_74 = arith.constant 9360 : i32
        %dma_start3A_75 = arith.constant 0 : i32
        %dma_start3A_76 = tpu.memref_slice %arg9[%dma_start3A_74, %dma_start3A_75] : memref<10000x16xf32, #tpu.memory_space<vmem_shared>> -> memref<640x16xf32, #tpu.memory_space<vmem_shared>>
        %dma_start3A_77 = arith.constant 9360 : i32
        %dma_start3A_78 = arith.constant 0 : i32
        %dma_start3A_79 = tpu.memref_slice %arg4[%dma_start3A_77, %dma_start3A_78] : memref<10000x16xf32, #tpu.memory_space<hbm>> -> memref<640x16xf32, #tpu.memory_space<hbm>>
        tpu.enqueue_dma source(%dma_start3A_79 : memref<640x16xf32, #tpu.memory_space<hbm>>) target(%dma_start3A_76 : memref<640x16xf32, #tpu.memory_space<vmem_shared>>) target_semaphore(%run_scoped3A : memref<!tpu.dma_semaphore, #tpu.memory_space<semaphore_mem>>)
        %dma_wait3A_80 = arith.constant 9360 : i32
        %dma_wait3A_81 = arith.constant 0 : i32
        %dma_wait3A_82 = tpu.memref_slice %arg9[%dma_wait3A_80, %dma_wait3A_81] : memref<10000x16xf32, #tpu.memory_space<vmem_shared>> -> memref<640x16xf32, #tpu.memory_space<vmem_shared>>
        %dma_wait3A_83 = arith.constant 9360 : i32
        %dma_wait3A_84 = arith.constant 0 : i32
        %dma_wait3A_85 = tpu.memref_slice %arg4[%dma_wait3A_83, %dma_wait3A_84] : memref<10000x16xf32, #tpu.memory_space<hbm>> -> memref<640x16xf32, #tpu.memory_space<hbm>>
        tpu.wait_dma2 semaphore(%run_scoped3A : memref<!tpu.dma_semaphore, #tpu.memory_space<semaphore_mem>>) src(%dma_wait3A_85 : memref<640x16xf32, #tpu.memory_space<hbm>>) dst(%dma_wait3A_82 : memref<640x16xf32, #tpu.memory_space<vmem_shared>>)
        tpu.yield
      }) : () -> ()
    } else {
    }
    tpu.wait_dma2 semaphore(%arg10 : memref<!tpu.dma_semaphore, #tpu.memory_space<semaphore_mem>>) src(%arg3 : memref<128x16xf32, #tpu.memory_space<hbm>>) dst(%arg8 : memref<128x16xf32, #tpu.memory_space<vmem>>)
    %dma_wait3A = arith.constant 0 : i32
    %dma_wait3A_26 = arith.constant 0 : i32
    %dma_wait3A_27 = arith.constant 0 : i32
    %dma_wait3A_28 = tpu.memref_slice %arg7[%dma_wait3A, %dma_wait3A_26, %dma_wait3A_27] : memref<79x2x128xi32, #tpu.memory_space<vmem>> -> memref<78x2x128xi32, #tpu.memory_space<vmem>>
    %dma_wait3A_29 = arith.constant 0 : i32
    %dma_wait3A_30 = arith.constant 0 : i32
    %dma_wait3A_31 = tpu.memref_slice %arg2[%add3A_4, %dma_wait3A_29, %dma_wait3A_30] : memref<2500x2x128xi32, #tpu.memory_space<hbm>> -> memref<78x2x128xi32, #tpu.memory_space<hbm>>
    %dma_wait3A_32 = arith.constant 0 : i32
    %dma_wait3A_33 = arith.constant 0 : i32
    %dma_wait3A_34 = arith.constant 0 : i32
    %dma_wait3A_35 = tpu.memref_slice %arg7[%dma_wait3A_32, %dma_wait3A_33, %dma_wait3A_34] : memref<79x2x128xi32, #tpu.memory_space<vmem>> -> memref<78x2x128xi32, #tpu.memory_space<vmem>>
    %dma_wait3A_36 = arith.constant 0 : i32
    %dma_wait3A_37 = arith.constant 0 : i32
    %dma_wait3A_38 = tpu.memref_slice %arg2[%add3A_4, %dma_wait3A_36, %dma_wait3A_37] : memref<2500x2x128xi32, #tpu.memory_space<hbm>> -> memref<78x2x128xi32, #tpu.memory_space<hbm>>
    tpu.wait_dma2 semaphore(%arg10 : memref<!tpu.dma_semaphore, #tpu.memory_space<semaphore_mem>>) src(%dma_wait3A_38 : memref<78x2x128xi32, #tpu.memory_space<hbm>>) dst(%dma_wait3A_35 : memref<78x2x128xi32, #tpu.memory_space<vmem>>)
    %lt3A_39 = arith.constant 4 : i32
    %lt3A_40 = arith.cmpi slt, %add3A, %lt3A_39 : i32
    %convert_element_type3A_41 = arith.extui %lt3A_40 : i1 to i32
    %cond3A_42 = arith.constant 0 : i32
    %cond3A_43 = arith.cmpi ne, %convert_element_type3A_41, %cond3A_42 : i32
    scf.if %cond3A_43 {
      %add3A_74 = arith.constant 78 : i32
      %add3A_75 = arith.addi %add3A_4, %add3A_74 : i32
      "tpu.region"() ({
        %run_scoped3A = tpu.sem_alloc : memref<!tpu.dma_semaphore, #tpu.memory_space<semaphore_mem>>
        %dma_start3A_76 = arith.constant 78 : i32
        %dma_start3A_77 = arith.constant 0 : i32
        %dma_start3A_78 = arith.constant 0 : i32
        %dma_start3A_79 = tpu.memref_slice %arg7[%dma_start3A_76, %dma_start3A_77, %dma_start3A_78] : memref<79x2x128xi32, #tpu.memory_space<vmem>> -> memref<1x2x128xi32, #tpu.memory_space<vmem>>
        %dma_start3A_80 = arith.constant 0 : i32
        %dma_start3A_81 = arith.constant 0 : i32
        %dma_start3A_82 = tpu.memref_slice %arg2[%add3A_75, %dma_start3A_80, %dma_start3A_81] : memref<2500x2x128xi32, #tpu.memory_space<hbm>> -> memref<1x2x128xi32, #tpu.memory_space<hbm>>
        %dma_start3A_83 = arith.constant 78 : i32
        %dma_start3A_84 = arith.constant 0 : i32
        %dma_start3A_85 = arith.constant 0 : i32
        %dma_start3A_86 = tpu.memref_slice %arg7[%dma_start3A_83, %dma_start3A_84, %dma_start3A_85] : memref<79x2x128xi32, #tpu.memory_space<vmem>> -> memref<1x2x128xi32, #tpu.memory_space<vmem>>
        %dma_start3A_87 = arith.constant 0 : i32
        %dma_start3A_88 = arith.constant 0 : i32
        %dma_start3A_89 = tpu.memref_slice %arg2[%add3A_75, %dma_start3A_87, %dma_start3A_88] : memref<2500x2x128xi32, #tpu.memory_space<hbm>> -> memref<1x2x128xi32, #tpu.memory_space<hbm>>
        tpu.enqueue_dma source(%dma_start3A_89 : memref<1x2x128xi32, #tpu.memory_space<hbm>>) target(%dma_start3A_86 : memref<1x2x128xi32, #tpu.memory_space<vmem>>) target_semaphore(%run_scoped3A : memref<!tpu.dma_semaphore, #tpu.memory_space<semaphore_mem>>)
        %dma_wait3A_90 = arith.constant 78 : i32
        %dma_wait3A_91 = arith.constant 0 : i32
        %dma_wait3A_92 = arith.constant 0 : i32
        %dma_wait3A_93 = tpu.memref_slice %arg7[%dma_wait3A_90, %dma_wait3A_91, %dma_wait3A_92] : memref<79x2x128xi32, #tpu.memory_space<vmem>> -> memref<1x2x128xi32, #tpu.memory_space<vmem>>
        %dma_wait3A_94 = arith.constant 0 : i32
        %dma_wait3A_95 = arith.constant 0 : i32
        %dma_wait3A_96 = tpu.memref_slice %arg2[%add3A_75, %dma_wait3A_94, %dma_wait3A_95] : memref<2500x2x128xi32, #tpu.memory_space<hbm>> -> memref<1x2x128xi32, #tpu.memory_space<hbm>>
        %dma_wait3A_97 = arith.constant 78 : i32
        %dma_wait3A_98 = arith.constant 0 : i32
        %dma_wait3A_99 = arith.constant 0 : i32
        %dma_wait3A_100 = tpu.memref_slice %arg7[%dma_wait3A_97, %dma_wait3A_98, %dma_wait3A_99] : memref<79x2x128xi32, #tpu.memory_space<vmem>> -> memref<1x2x128xi32, #tpu.memory_space<vmem>>
        %dma_wait3A_101 = arith.constant 0 : i32
        %dma_wait3A_102 = arith.constant 0 : i32
        %dma_wait3A_103 = tpu.memref_slice %arg2[%add3A_75, %dma_wait3A_101, %dma_wait3A_102] : memref<2500x2x128xi32, #tpu.memory_space<hbm>> -> memref<1x2x128xi32, #tpu.memory_space<hbm>>
        tpu.wait_dma2 semaphore(%run_scoped3A : memref<!tpu.dma_semaphore, #tpu.memory_space<semaphore_mem>>) src(%dma_wait3A_103 : memref<1x2x128xi32, #tpu.memory_space<hbm>>) dst(%dma_wait3A_100 : memref<1x2x128xi32, #tpu.memory_space<vmem>>)
        tpu.yield
      }) : () -> ()
    } else {
    }
    %barrier3A = arith.constant 0 : index
    tpu.barrier barrier_id(%barrier3A)
    %scan3A = arith.constant 0 : i32
    %scan3A_44 = arith.constant 78 : i32
    %scan3A_45 = arith.addi %scan3A, %scan3A_44 : i32
    %scan3A_46 = arith.constant 1 : i32
    scf.for %scan3A_74 = %scan3A to %scan3A_45 step %scan3A_46  : i32 {
      %mul3A_75 = arith.constant 1 : i32
      %mul3A_76 = arith.muli %scan3A_74, %mul3A_75 : i32
      %add3A_77 = arith.constant 0 : i32
      %add3A_78 = arith.addi %add3A_77, %mul3A_76 : i32
      %dma_start3A_79 = arith.constant 1 : i32
      %dma_start3A_80 = arith.constant 0 : i32
      %dma_start3A_81 = tpu.memref_slice %arg7[%add3A_78, %dma_start3A_79, %dma_start3A_80] : memref<79x2x128xi32, #tpu.memory_space<vmem>> -> memref<1x1x128xi32, #tpu.memory_space<vmem>>
      %dma_start3A_82 = tpu.memref_squeeze %dma_start3A_81 : memref<1x1x128xi32, #tpu.memory_space<vmem>> -> memref<128xi32, #tpu.memory_space<vmem>>
      %dma_start3A_83 = arith.constant 0 : i32
      %dma_start3A_84 = arith.constant 0 : i32
      %dma_start3A_85 = tpu.memref_slice %arg9[%dma_start3A_83, %dma_start3A_84] : memref<10000x16xf32, #tpu.memory_space<vmem_shared>> -> memref<10000x16xf32, #tpu.memory_space<vmem_shared>>
      tpu.enqueue_indirect_dma source(%arg8 : memref<128x16xf32, #tpu.memory_space<vmem>>) target(%dma_start3A_85 : memref<10000x16xf32, #tpu.memory_space<vmem_shared>>) offsets(%dma_start3A_82 : memref<128xi32, #tpu.memory_space<vmem>>) semaphore(%arg10 : memref<!tpu.dma_semaphore, #tpu.memory_space<semaphore_mem>>) {add = true}
    }
    %scan3A_47 = arith.constant 78 : i32
    %lt3A_48 = arith.constant 4 : i32
    %lt3A_49 = arith.cmpi slt, %add3A, %lt3A_48 : i32
    %convert_element_type3A_50 = arith.extui %lt3A_49 : i1 to i32
    %cond3A_51 = arith.constant 0 : i32
    %cond3A_52 = arith.cmpi ne, %convert_element_type3A_50, %cond3A_51 : i32
    scf.if %cond3A_52 {
      %dma_start3A_74 = arith.constant 78 : i32
      %dma_start3A_75 = arith.constant 1 : i32
      %dma_start3A_76 = arith.constant 0 : i32
      %dma_start3A_77 = tpu.memref_slice %arg7[%dma_start3A_74, %dma_start3A_75, %dma_start3A_76] : memref<79x2x128xi32, #tpu.memory_space<vmem>> -> memref<1x1x128xi32, #tpu.memory_space<vmem>>
      %dma_start3A_78 = tpu.memref_squeeze %dma_start3A_77 : memref<1x1x128xi32, #tpu.memory_space<vmem>> -> memref<128xi32, #tpu.memory_space<vmem>>
      %dma_start3A_79 = arith.constant 0 : i32
      %dma_start3A_80 = arith.constant 0 : i32
      %dma_start3A_81 = tpu.memref_slice %arg9[%dma_start3A_79, %dma_start3A_80] : memref<10000x16xf32, #tpu.memory_space<vmem_shared>> -> memref<10000x16xf32, #tpu.memory_space<vmem_shared>>
      tpu.enqueue_indirect_dma source(%arg8 : memref<128x16xf32, #tpu.memory_space<vmem>>) target(%dma_start3A_81 : memref<10000x16xf32, #tpu.memory_space<vmem_shared>>) offsets(%dma_start3A_78 : memref<128xi32, #tpu.memory_space<vmem>>) semaphore(%arg10 : memref<!tpu.dma_semaphore, #tpu.memory_space<semaphore_mem>>) {add = true}
    } else {
    }
    %scan3A_53 = arith.constant 0 : i32
    %scan3A_54 = arith.constant 78 : i32
    %scan3A_55 = arith.addi %scan3A_53, %scan3A_54 : i32
    %scan3A_56 = arith.constant 1 : i32
    scf.for %scan3A_74 = %scan3A_53 to %scan3A_55 step %scan3A_56  : i32 {
      %mul3A_75 = arith.constant 1 : i32
      %mul3A_76 = arith.muli %scan3A_74, %mul3A_75 : i32
      %add3A_77 = arith.constant 0 : i32
      %add3A_78 = arith.addi %add3A_77, %mul3A_76 : i32
      %dma_wait3A_79 = arith.constant 0 : i32
      %dma_wait3A_80 = arith.constant 1 : i32
      %dma_wait3A_81 = arith.constant 0 : i32
      %dma_wait3A_82 = tpu.memref_slice %arg7[%dma_wait3A_79, %dma_wait3A_80, %dma_wait3A_81] : memref<79x2x128xi32, #tpu.memory_space<vmem>> -> memref<1x1x128xi32, #tpu.memory_space<vmem>>
      %dma_wait3A_83 = tpu.memref_squeeze %dma_wait3A_82 : memref<1x1x128xi32, #tpu.memory_space<vmem>> -> memref<128xi32, #tpu.memory_space<vmem>>
      %dma_wait3A_84 = arith.constant 0 : i32
      %dma_wait3A_85 = arith.constant 0 : i32
      %dma_wait3A_86 = tpu.memref_slice %arg9[%dma_wait3A_84, %dma_wait3A_85] : memref<10000x16xf32, #tpu.memory_space<vmem_shared>> -> memref<10000x16xf32, #tpu.memory_space<vmem_shared>>
      tpu.wait_indirect_dma semaphore(%arg10 : memref<!tpu.dma_semaphore, #tpu.memory_space<semaphore_mem>>) src(%arg8 : memref<128x16xf32, #tpu.memory_space<vmem>>) dst(%dma_wait3A_86 : memref<10000x16xf32, #tpu.memory_space<vmem_shared>>)
    }
    %scan3A_57 = arith.constant 78 : i32
    %lt3A_58 = arith.constant 4 : i32
    %lt3A_59 = arith.cmpi slt, %add3A, %lt3A_58 : i32
    %convert_element_type3A_60 = arith.extui %lt3A_59 : i1 to i32
    %cond3A_61 = arith.constant 0 : i32
    %cond3A_62 = arith.cmpi ne, %convert_element_type3A_60, %cond3A_61 : i32
    scf.if %cond3A_62 {
      %dma_wait3A_74 = arith.constant 0 : i32
      %dma_wait3A_75 = arith.constant 1 : i32
      %dma_wait3A_76 = arith.constant 0 : i32
      %dma_wait3A_77 = tpu.memref_slice %arg7[%dma_wait3A_74, %dma_wait3A_75, %dma_wait3A_76] : memref<79x2x128xi32, #tpu.memory_space<vmem>> -> memref<1x1x128xi32, #tpu.memory_space<vmem>>
      %dma_wait3A_78 = tpu.memref_squeeze %dma_wait3A_77 : memref<1x1x128xi32, #tpu.memory_space<vmem>> -> memref<128xi32, #tpu.memory_space<vmem>>
      %dma_wait3A_79 = arith.constant 0 : i32
      %dma_wait3A_80 = arith.constant 0 : i32
      %dma_wait3A_81 = tpu.memref_slice %arg9[%dma_wait3A_79, %dma_wait3A_80] : memref<10000x16xf32, #tpu.memory_space<vmem_shared>> -> memref<10000x16xf32, #tpu.memory_space<vmem_shared>>
      tpu.wait_indirect_dma semaphore(%arg10 : memref<!tpu.dma_semaphore, #tpu.memory_space<semaphore_mem>>) src(%arg8 : memref<128x16xf32, #tpu.memory_space<vmem>>) dst(%dma_wait3A_81 : memref<10000x16xf32, #tpu.memory_space<vmem_shared>>)
    } else {
    }
    %barrier3A_63 = arith.constant 0 : index
    tpu.barrier barrier_id(%barrier3A_63)
    %eq3A_64 = arith.constant 0 : i32
    %eq3A_65 = arith.cmpi eq, %arg0, %eq3A_64 : i32
    %convert_element_type3A_66 = arith.extui %eq3A_65 : i1 to i32
    %cond3A_67 = arith.constant 0 : i32
    %cond3A_68 = arith.cmpi ne, %convert_element_type3A_66, %cond3A_67 : i32
    scf.if %cond3A_68 {
      %mul3A_74 = arith.constant 624 : i32
      %mul3A_75 = arith.muli %arg1, %mul3A_74 : i32
      %lt3A_76 = arith.constant 15 : i32
      %lt3A_77 = arith.cmpi slt, %arg1, %lt3A_76 : i32
      %convert_element_type3A_78 = arith.extui %lt3A_77 : i1 to i32
      %cond3A_79 = arith.constant 0 : i32
      %cond3A_80 = arith.cmpi ne, %convert_element_type3A_78, %cond3A_79 : i32
      scf.if %cond3A_80 {
        "tpu.region"() ({
          %run_scoped3A = tpu.sem_alloc : memref<!tpu.dma_semaphore, #tpu.memory_space<semaphore_mem>>
          %dma_start3A_86 = arith.constant 0 : i32
          %dma_start3A_87 = tpu.memref_slice %arg5[%mul3A_75, %dma_start3A_86] : memref<10000x16xf32, #tpu.memory_space<hbm>> -> memref<624x16xf32, #tpu.memory_space<hbm>>
          %dma_start3A_88 = arith.constant 0 : i32
          %dma_start3A_89 = tpu.memref_slice %arg9[%mul3A_75, %dma_start3A_88] : memref<10000x16xf32, #tpu.memory_space<vmem_shared>> -> memref<624x16xf32, #tpu.memory_space<vmem_shared>>
          tpu.enqueue_dma source(%dma_start3A_89 : memref<624x16xf32, #tpu.memory_space<vmem_shared>>) target(%dma_start3A_87 : memref<624x16xf32, #tpu.memory_space<hbm>>) target_semaphore(%run_scoped3A : memref<!tpu.dma_semaphore, #tpu.memory_space<semaphore_mem>>)
          %dma_wait3A_90 = arith.constant 0 : i32
          %dma_wait3A_91 = tpu.memref_slice %arg5[%mul3A_75, %dma_wait3A_90] : memref<10000x16xf32, #tpu.memory_space<hbm>> -> memref<624x16xf32, #tpu.memory_space<hbm>>
          %dma_wait3A_92 = arith.constant 0 : i32
          %dma_wait3A_93 = tpu.memref_slice %arg9[%mul3A_75, %dma_wait3A_92] : memref<10000x16xf32, #tpu.memory_space<vmem_shared>> -> memref<624x16xf32, #tpu.memory_space<vmem_shared>>
          tpu.wait_dma2 semaphore(%run_scoped3A : memref<!tpu.dma_semaphore, #tpu.memory_space<semaphore_mem>>) src(%dma_wait3A_93 : memref<624x16xf32, #tpu.memory_space<vmem_shared>>) dst(%dma_wait3A_91 : memref<624x16xf32, #tpu.memory_space<hbm>>)
          tpu.yield
        }) : () -> ()
      } else {
      }
      %eq3A_81 = arith.constant 15 : i32
      %eq3A_82 = arith.cmpi eq, %arg1, %eq3A_81 : i32
      %convert_element_type3A_83 = arith.extui %eq3A_82 : i1 to i32
      %cond3A_84 = arith.constant 0 : i32
      %cond3A_85 = arith.cmpi ne, %convert_element_type3A_83, %cond3A_84 : i32
      scf.if %cond3A_85 {
        "tpu.region"() ({
          %run_scoped3A = tpu.sem_alloc : memref<!tpu.dma_semaphore, #tpu.memory_space<semaphore_mem>>
          %dma_start3A_86 = arith.constant 9360 : i32
          %dma_start3A_87 = arith.constant 0 : i32
          %dma_start3A_88 = tpu.memref_slice %arg5[%dma_start3A_86, %dma_start3A_87] : memref<10000x16xf32, #tpu.memory_space<hbm>> -> memref<640x16xf32, #tpu.memory_space<hbm>>
          %dma_start3A_89 = arith.constant 9360 : i32
          %dma_start3A_90 = arith.constant 0 : i32
          %dma_start3A_91 = tpu.memref_slice %arg9[%dma_start3A_89, %dma_start3A_90] : memref<10000x16xf32, #tpu.memory_space<vmem_shared>> -> memref<640x16xf32, #tpu.memory_space<vmem_shared>>
          tpu.enqueue_dma source(%dma_start3A_91 : memref<640x16xf32, #tpu.memory_space<vmem_shared>>) target(%dma_start3A_88 : memref<640x16xf32, #tpu.memory_space<hbm>>) target_semaphore(%run_scoped3A : memref<!tpu.dma_semaphore, #tpu.memory_space<semaphore_mem>>)
          %dma_wait3A_92 = arith.constant 9360 : i32
          %dma_wait3A_93 = arith.constant 0 : i32
          %dma_wait3A_94 = tpu.memref_slice %arg5[%dma_wait3A_92, %dma_wait3A_93] : memref<10000x16xf32, #tpu.memory_space<hbm>> -> memref<640x16xf32, #tpu.memory_space<hbm>>
          %dma_wait3A_95 = arith.constant 9360 : i32
          %dma_wait3A_96 = arith.constant 0 : i32
          %dma_wait3A_97 = tpu.memref_slice %arg9[%dma_wait3A_95, %dma_wait3A_96] : memref<10000x16xf32, #tpu.memory_space<vmem_shared>> -> memref<640x16xf32, #tpu.memory_space<vmem_shared>>
          tpu.wait_dma2 semaphore(%run_scoped3A : memref<!tpu.dma_semaphore, #tpu.memory_space<semaphore_mem>>) src(%dma_wait3A_97 : memref<640x16xf32, #tpu.memory_space<vmem_shared>>) dst(%dma_wait3A_94 : memref<640x16xf32, #tpu.memory_space<hbm>>)
          tpu.yield
        }) : () -> ()
      } else {
      }
    } else {
    }
    %eq3A_69 = arith.constant 1 : i32
    %eq3A_70 = arith.cmpi eq, %arg0, %eq3A_69 : i32
    %convert_element_type3A_71 = arith.extui %eq3A_70 : i1 to i32
    %cond3A_72 = arith.constant 0 : i32
    %cond3A_73 = arith.cmpi ne, %convert_element_type3A_71, %cond3A_72 : i32
    scf.if %cond3A_73 {
      %mul3A_74 = arith.constant 624 : i32
      %mul3A_75 = arith.muli %arg1, %mul3A_74 : i32
      %lt3A_76 = arith.constant 15 : i32
      %lt3A_77 = arith.cmpi slt, %arg1, %lt3A_76 : i32
      %convert_element_type3A_78 = arith.extui %lt3A_77 : i1 to i32
      %cond3A_79 = arith.constant 0 : i32
      %cond3A_80 = arith.cmpi ne, %convert_element_type3A_78, %cond3A_79 : i32
      scf.if %cond3A_80 {
        "tpu.region"() ({
          %run_scoped3A = tpu.sem_alloc : memref<!tpu.dma_semaphore, #tpu.memory_space<semaphore_mem>>
          %dma_start3A_86 = arith.constant 0 : i32
          %dma_start3A_87 = tpu.memref_slice %arg6[%mul3A_75, %dma_start3A_86] : memref<10000x16xf32, #tpu.memory_space<hbm>> -> memref<624x16xf32, #tpu.memory_space<hbm>>
          %dma_start3A_88 = arith.constant 0 : i32
          %dma_start3A_89 = tpu.memref_slice %arg9[%mul3A_75, %dma_start3A_88] : memref<10000x16xf32, #tpu.memory_space<vmem_shared>> -> memref<624x16xf32, #tpu.memory_space<vmem_shared>>
          tpu.enqueue_dma source(%dma_start3A_89 : memref<624x16xf32, #tpu.memory_space<vmem_shared>>) target(%dma_start3A_87 : memref<624x16xf32, #tpu.memory_space<hbm>>) target_semaphore(%run_scoped3A : memref<!tpu.dma_semaphore, #tpu.memory_space<semaphore_mem>>)
          %dma_wait3A_90 = arith.constant 0 : i32
          %dma_wait3A_91 = tpu.memref_slice %arg6[%mul3A_75, %dma_wait3A_90] : memref<10000x16xf32, #tpu.memory_space<hbm>> -> memref<624x16xf32, #tpu.memory_space<hbm>>
          %dma_wait3A_92 = arith.constant 0 : i32
          %dma_wait3A_93 = tpu.memref_slice %arg9[%mul3A_75, %dma_wait3A_92] : memref<10000x16xf32, #tpu.memory_space<vmem_shared>> -> memref<624x16xf32, #tpu.memory_space<vmem_shared>>
          tpu.wait_dma2 semaphore(%run_scoped3A : memref<!tpu.dma_semaphore, #tpu.memory_space<semaphore_mem>>) src(%dma_wait3A_93 : memref<624x16xf32, #tpu.memory_space<vmem_shared>>) dst(%dma_wait3A_91 : memref<624x16xf32, #tpu.memory_space<hbm>>)
          tpu.yield
        }) : () -> ()
      } else {
      }
      %eq3A_81 = arith.constant 15 : i32
      %eq3A_82 = arith.cmpi eq, %arg1, %eq3A_81 : i32
      %convert_element_type3A_83 = arith.extui %eq3A_82 : i1 to i32
      %cond3A_84 = arith.constant 0 : i32
      %cond3A_85 = arith.cmpi ne, %convert_element_type3A_83, %cond3A_84 : i32
      scf.if %cond3A_85 {
        "tpu.region"() ({
          %run_scoped3A = tpu.sem_alloc : memref<!tpu.dma_semaphore, #tpu.memory_space<semaphore_mem>>
          %dma_start3A_86 = arith.constant 9360 : i32
          %dma_start3A_87 = arith.constant 0 : i32
          %dma_start3A_88 = tpu.memref_slice %arg6[%dma_start3A_86, %dma_start3A_87] : memref<10000x16xf32, #tpu.memory_space<hbm>> -> memref<640x16xf32, #tpu.memory_space<hbm>>
          %dma_start3A_89 = arith.constant 9360 : i32
          %dma_start3A_90 = arith.constant 0 : i32
          %dma_start3A_91 = tpu.memref_slice %arg9[%dma_start3A_89, %dma_start3A_90] : memref<10000x16xf32, #tpu.memory_space<vmem_shared>> -> memref<640x16xf32, #tpu.memory_space<vmem_shared>>
          tpu.enqueue_dma source(%dma_start3A_91 : memref<640x16xf32, #tpu.memory_space<vmem_shared>>) target(%dma_start3A_88 : memref<640x16xf32, #tpu.memory_space<hbm>>) target_semaphore(%run_scoped3A : memref<!tpu.dma_semaphore, #tpu.memory_space<semaphore_mem>>)
          %dma_wait3A_92 = arith.constant 9360 : i32
          %dma_wait3A_93 = arith.constant 0 : i32
          %dma_wait3A_94 = tpu.memref_slice %arg6[%dma_wait3A_92, %dma_wait3A_93] : memref<10000x16xf32, #tpu.memory_space<hbm>> -> memref<640x16xf32, #tpu.memory_space<hbm>>
          %dma_wait3A_95 = arith.constant 9360 : i32
          %dma_wait3A_96 = arith.constant 0 : i32
          %dma_wait3A_97 = tpu.memref_slice %arg9[%dma_wait3A_95, %dma_wait3A_96] : memref<10000x16xf32, #tpu.memory_space<vmem_shared>> -> memref<640x16xf32, #tpu.memory_space<vmem_shared>>
          tpu.wait_dma2 semaphore(%run_scoped3A : memref<!tpu.dma_semaphore, #tpu.memory_space<semaphore_mem>>) src(%dma_wait3A_97 : memref<640x16xf32, #tpu.memory_space<vmem_shared>>) dst(%dma_wait3A_94 : memref<640x16xf32, #tpu.memory_space<hbm>>)
          tpu.yield
        }) : () -> ()
      } else {
      }
    } else {
    }
    return
  }
}

#map = affine_map<(d0, d1) -> (0, 0)>
#map1 = affine_map<(d0, d1) -> (0, 0, 0)>
module attributes {stable_mosaic.version = 14 : i64} {
  func.func @_agg_kernel(%arg0: i32, %arg1: i32, %arg2: memref<10000x128xf32, #tpu.memory_space<hbm>>, %arg3: memref<2500x2x128xi32, #tpu.memory_space<hbm>>, %arg4: memref<10000x128xf32, #tpu.memory_space<hbm>>, %arg5: memref<10000x128xf32, #tpu.memory_space<hbm>>, %arg6: memref<4x2x128xi32, #tpu.memory_space<vmem>>, %arg7: memref<2x128x128xf32, #tpu.memory_space<vmem>>, %arg8: memref<10000x128xf32, #tpu.memory_space<vmem_shared>>, %arg9: memref<!tpu.dma_semaphore, #tpu.memory_space<semaphore_mem>>, %arg10: memref<!tpu.dma_semaphore, #tpu.memory_space<semaphore_mem>>) attributes {dimension_semantics = [#tpu.dimension_semantics<core_parallel>, #tpu.dimension_semantics<subcore_parallel>], iteration_bounds = array<i64: 2, 16>, scalar_prefetch = 0 : i64, scratch_operands = 5 : i64, tpu.core_type = #tpu.core_type<sc_vector_subcore>, window_params = [{transform_indices = #map}, {transform_indices = #map1}, {transform_indices = #map}, {transform_indices = #map}]} {
    %mul3A = arith.constant 16 : i32
    %mul3A_0 = arith.muli %arg0, %mul3A : i32
    %add3A = arith.addi %mul3A_0, %arg1 : i32
    %mul3A_1 = arith.constant 78 : i32
    %mul3A_2 = arith.muli %add3A, %mul3A_1 : i32
    %min3A = arith.constant 4 : i32
    %min3A_3 = arith.minsi %add3A, %min3A : i32
    %add3A_4 = arith.addi %mul3A_2, %min3A_3 : i32
    %lt3A = arith.constant 4 : i32
    %lt3A_5 = arith.cmpi slt, %add3A, %lt3A : i32
    %convert_element_type3A = arith.extui %lt3A_5 : i1 to i32
    %add3A_6 = arith.constant 78 : i32
    %add3A_7 = arith.addi %add3A_6, %convert_element_type3A : i32
    %add3A_8 = arith.constant 0 : i32
    %add3A_9 = arith.addi %add3A_4, %add3A_8 : i32
    %dma_start3A = arith.constant 0 : i32
    %dma_start3A_10 = arith.constant 0 : i32
    %dma_start3A_11 = arith.constant 0 : i32
    %dma_start3A_12 = tpu.memref_slice %arg6[%dma_start3A, %dma_start3A_10, %dma_start3A_11] : memref<4x2x128xi32, #tpu.memory_space<vmem>> -> memref<1x2x128xi32, #tpu.memory_space<vmem>>
    %dma_start3A_13 = arith.constant 0 : i32
    %dma_start3A_14 = arith.constant 0 : i32
    %dma_start3A_15 = tpu.memref_slice %arg3[%add3A_9, %dma_start3A_13, %dma_start3A_14] : memref<2500x2x128xi32, #tpu.memory_space<hbm>> -> memref<1x2x128xi32, #tpu.memory_space<hbm>>
    %dma_start3A_16 = arith.constant 0 : i32
    %dma_start3A_17 = arith.constant 0 : i32
    %dma_start3A_18 = arith.constant 0 : i32
    %dma_start3A_19 = tpu.memref_slice %arg6[%dma_start3A_16, %dma_start3A_17, %dma_start3A_18] : memref<4x2x128xi32, #tpu.memory_space<vmem>> -> memref<1x2x128xi32, #tpu.memory_space<vmem>>
    %dma_start3A_20 = arith.constant 0 : i32
    %dma_start3A_21 = arith.constant 0 : i32
    %dma_start3A_22 = tpu.memref_slice %arg3[%add3A_9, %dma_start3A_20, %dma_start3A_21] : memref<2500x2x128xi32, #tpu.memory_space<hbm>> -> memref<1x2x128xi32, #tpu.memory_space<hbm>>
    tpu.enqueue_dma source(%dma_start3A_22 : memref<1x2x128xi32, #tpu.memory_space<hbm>>) target(%dma_start3A_19 : memref<1x2x128xi32, #tpu.memory_space<vmem>>) target_semaphore(%arg10 : memref<!tpu.dma_semaphore, #tpu.memory_space<semaphore_mem>>)
    %add3A_23 = arith.constant 1 : i32
    %add3A_24 = arith.addi %add3A_4, %add3A_23 : i32
    %dma_start3A_25 = arith.constant 1 : i32
    %dma_start3A_26 = arith.constant 0 : i32
    %dma_start3A_27 = arith.constant 0 : i32
    %dma_start3A_28 = tpu.memref_slice %arg6[%dma_start3A_25, %dma_start3A_26, %dma_start3A_27] : memref<4x2x128xi32, #tpu.memory_space<vmem>> -> memref<1x2x128xi32, #tpu.memory_space<vmem>>
    %dma_start3A_29 = arith.constant 0 : i32
    %dma_start3A_30 = arith.constant 0 : i32
    %dma_start3A_31 = tpu.memref_slice %arg3[%add3A_24, %dma_start3A_29, %dma_start3A_30] : memref<2500x2x128xi32, #tpu.memory_space<hbm>> -> memref<1x2x128xi32, #tpu.memory_space<hbm>>
    %dma_start3A_32 = arith.constant 1 : i32
    %dma_start3A_33 = arith.constant 0 : i32
    %dma_start3A_34 = arith.constant 0 : i32
    %dma_start3A_35 = tpu.memref_slice %arg6[%dma_start3A_32, %dma_start3A_33, %dma_start3A_34] : memref<4x2x128xi32, #tpu.memory_space<vmem>> -> memref<1x2x128xi32, #tpu.memory_space<vmem>>
    %dma_start3A_36 = arith.constant 0 : i32
    %dma_start3A_37 = arith.constant 0 : i32
    %dma_start3A_38 = tpu.memref_slice %arg3[%add3A_24, %dma_start3A_36, %dma_start3A_37] : memref<2500x2x128xi32, #tpu.memory_space<hbm>> -> memref<1x2x128xi32, #tpu.memory_space<hbm>>
    tpu.enqueue_dma source(%dma_start3A_38 : memref<1x2x128xi32, #tpu.memory_space<hbm>>) target(%dma_start3A_35 : memref<1x2x128xi32, #tpu.memory_space<vmem>>) target_semaphore(%arg10 : memref<!tpu.dma_semaphore, #tpu.memory_space<semaphore_mem>>)
    %add3A_39 = arith.constant 2 : i32
    %add3A_40 = arith.addi %add3A_4, %add3A_39 : i32
    %dma_start3A_41 = arith.constant 2 : i32
    %dma_start3A_42 = arith.constant 0 : i32
    %dma_start3A_43 = arith.constant 0 : i32
    %dma_start3A_44 = tpu.memref_slice %arg6[%dma_start3A_41, %dma_start3A_42, %dma_start3A_43] : memref<4x2x128xi32, #tpu.memory_space<vmem>> -> memref<1x2x128xi32, #tpu.memory_space<vmem>>
    %dma_start3A_45 = arith.constant 0 : i32
    %dma_start3A_46 = arith.constant 0 : i32
    %dma_start3A_47 = tpu.memref_slice %arg3[%add3A_40, %dma_start3A_45, %dma_start3A_46] : memref<2500x2x128xi32, #tpu.memory_space<hbm>> -> memref<1x2x128xi32, #tpu.memory_space<hbm>>
    %dma_start3A_48 = arith.constant 2 : i32
    %dma_start3A_49 = arith.constant 0 : i32
    %dma_start3A_50 = arith.constant 0 : i32
    %dma_start3A_51 = tpu.memref_slice %arg6[%dma_start3A_48, %dma_start3A_49, %dma_start3A_50] : memref<4x2x128xi32, #tpu.memory_space<vmem>> -> memref<1x2x128xi32, #tpu.memory_space<vmem>>
    %dma_start3A_52 = arith.constant 0 : i32
    %dma_start3A_53 = arith.constant 0 : i32
    %dma_start3A_54 = tpu.memref_slice %arg3[%add3A_40, %dma_start3A_52, %dma_start3A_53] : memref<2500x2x128xi32, #tpu.memory_space<hbm>> -> memref<1x2x128xi32, #tpu.memory_space<hbm>>
    tpu.enqueue_dma source(%dma_start3A_54 : memref<1x2x128xi32, #tpu.memory_space<hbm>>) target(%dma_start3A_51 : memref<1x2x128xi32, #tpu.memory_space<vmem>>) target_semaphore(%arg10 : memref<!tpu.dma_semaphore, #tpu.memory_space<semaphore_mem>>)
    %eq3A = arith.constant 0 : i32
    %eq3A_55 = arith.cmpi eq, %arg0, %eq3A : i32
    %convert_element_type3A_56 = arith.extui %eq3A_55 : i1 to i32
    %cond3A = arith.constant 0 : i32
    %cond3A_57 = arith.cmpi ne, %convert_element_type3A_56, %cond3A : i32
    scf.if %cond3A_57 {
      %mul3A_116 = arith.constant 624 : i32
      %mul3A_117 = arith.muli %arg1, %mul3A_116 : i32
      %lt3A_118 = arith.constant 15 : i32
      %lt3A_119 = arith.cmpi slt, %arg1, %lt3A_118 : i32
      %convert_element_type3A_120 = arith.extui %lt3A_119 : i1 to i32
      %cond3A_121 = arith.constant 0 : i32
      %cond3A_122 = arith.cmpi ne, %convert_element_type3A_120, %cond3A_121 : i32
      scf.if %cond3A_122 {
        "tpu.region"() ({
          %run_scoped3A = tpu.sem_alloc : memref<!tpu.dma_semaphore, #tpu.memory_space<semaphore_mem>>
          %dma_start3A_128 = arith.constant 0 : i32
          %dma_start3A_129 = tpu.memref_slice %arg8[%mul3A_117, %dma_start3A_128] : memref<10000x128xf32, #tpu.memory_space<vmem_shared>> -> memref<624x128xf32, #tpu.memory_space<vmem_shared>>
          %dma_start3A_130 = arith.constant 0 : i32
          %dma_start3A_131 = tpu.memref_slice %arg2[%mul3A_117, %dma_start3A_130] : memref<10000x128xf32, #tpu.memory_space<hbm>> -> memref<624x128xf32, #tpu.memory_space<hbm>>
          tpu.enqueue_dma source(%dma_start3A_131 : memref<624x128xf32, #tpu.memory_space<hbm>>) target(%dma_start3A_129 : memref<624x128xf32, #tpu.memory_space<vmem_shared>>) target_semaphore(%run_scoped3A : memref<!tpu.dma_semaphore, #tpu.memory_space<semaphore_mem>>)
          %dma_wait3A_132 = arith.constant 0 : i32
          %dma_wait3A_133 = tpu.memref_slice %arg8[%mul3A_117, %dma_wait3A_132] : memref<10000x128xf32, #tpu.memory_space<vmem_shared>> -> memref<624x128xf32, #tpu.memory_space<vmem_shared>>
          %dma_wait3A_134 = arith.constant 0 : i32
          %dma_wait3A_135 = tpu.memref_slice %arg2[%mul3A_117, %dma_wait3A_134] : memref<10000x128xf32, #tpu.memory_space<hbm>> -> memref<624x128xf32, #tpu.memory_space<hbm>>
          tpu.wait_dma2 semaphore(%run_scoped3A : memref<!tpu.dma_semaphore, #tpu.memory_space<semaphore_mem>>) src(%dma_wait3A_135 : memref<624x128xf32, #tpu.memory_space<hbm>>) dst(%dma_wait3A_133 : memref<624x128xf32, #tpu.memory_space<vmem_shared>>)
          tpu.yield
        }) : () -> ()
      } else {
      }
      %eq3A_123 = arith.constant 15 : i32
      %eq3A_124 = arith.cmpi eq, %arg1, %eq3A_123 : i32
      %convert_element_type3A_125 = arith.extui %eq3A_124 : i1 to i32
      %cond3A_126 = arith.constant 0 : i32
      %cond3A_127 = arith.cmpi ne, %convert_element_type3A_125, %cond3A_126 : i32
      scf.if %cond3A_127 {
        "tpu.region"() ({
          %run_scoped3A = tpu.sem_alloc : memref<!tpu.dma_semaphore, #tpu.memory_space<semaphore_mem>>
          %dma_start3A_128 = arith.constant 9360 : i32
          %dma_start3A_129 = arith.constant 0 : i32
          %dma_start3A_130 = tpu.memref_slice %arg8[%dma_start3A_128, %dma_start3A_129] : memref<10000x128xf32, #tpu.memory_space<vmem_shared>> -> memref<640x128xf32, #tpu.memory_space<vmem_shared>>
          %dma_start3A_131 = arith.constant 9360 : i32
          %dma_start3A_132 = arith.constant 0 : i32
          %dma_start3A_133 = tpu.memref_slice %arg2[%dma_start3A_131, %dma_start3A_132] : memref<10000x128xf32, #tpu.memory_space<hbm>> -> memref<640x128xf32, #tpu.memory_space<hbm>>
          tpu.enqueue_dma source(%dma_start3A_133 : memref<640x128xf32, #tpu.memory_space<hbm>>) target(%dma_start3A_130 : memref<640x128xf32, #tpu.memory_space<vmem_shared>>) target_semaphore(%run_scoped3A : memref<!tpu.dma_semaphore, #tpu.memory_space<semaphore_mem>>)
          %dma_wait3A_134 = arith.constant 9360 : i32
          %dma_wait3A_135 = arith.constant 0 : i32
          %dma_wait3A_136 = tpu.memref_slice %arg8[%dma_wait3A_134, %dma_wait3A_135] : memref<10000x128xf32, #tpu.memory_space<vmem_shared>> -> memref<640x128xf32, #tpu.memory_space<vmem_shared>>
          %dma_wait3A_137 = arith.constant 9360 : i32
          %dma_wait3A_138 = arith.constant 0 : i32
          %dma_wait3A_139 = tpu.memref_slice %arg2[%dma_wait3A_137, %dma_wait3A_138] : memref<10000x128xf32, #tpu.memory_space<hbm>> -> memref<640x128xf32, #tpu.memory_space<hbm>>
          tpu.wait_dma2 semaphore(%run_scoped3A : memref<!tpu.dma_semaphore, #tpu.memory_space<semaphore_mem>>) src(%dma_wait3A_139 : memref<640x128xf32, #tpu.memory_space<hbm>>) dst(%dma_wait3A_136 : memref<640x128xf32, #tpu.memory_space<vmem_shared>>)
          tpu.yield
        }) : () -> ()
      } else {
      }
    } else {
    }
    %eq3A_58 = arith.constant 1 : i32
    %eq3A_59 = arith.cmpi eq, %arg0, %eq3A_58 : i32
    %convert_element_type3A_60 = arith.extui %eq3A_59 : i1 to i32
    %cond3A_61 = arith.constant 0 : i32
    %cond3A_62 = arith.cmpi ne, %convert_element_type3A_60, %cond3A_61 : i32
    scf.if %cond3A_62 {
      %broadcast_in_dim3A = arith.constant 0.000000e+00 : f32
      %broadcast_in_dim3A_116 = vector.broadcast %broadcast_in_dim3A : f32 to vector<16xf32>
      %scan3A = arith.constant 0 : i32
      %scan3A_117 = arith.constant 128 : i32
      %scan3A_118 = arith.addi %scan3A, %scan3A_117 : i32
      %scan3A_119 = arith.constant 1 : i32
      scf.for %scan3A_142 = %scan3A to %scan3A_118 step %scan3A_119  : i32 {
        %mul3A_143 = arith.constant 1 : i32
        %mul3A_144 = arith.muli %scan3A_142, %mul3A_143 : i32
        %add3A_145 = arith.constant 0 : i32
        %add3A_146 = arith.addi %add3A_145, %mul3A_144 : i32
        %swap3A = arith.constant 0 : i32
        %swap3A_147 = arith.index_cast %swap3A : i32 to index
        %swap3A_148 = arith.index_cast %add3A_146 : i32 to index
        %swap3A_149 = arith.constant 0 : index
        %swap3A_150 = tpu.vector_load %arg7[%swap3A_147, %swap3A_148, %swap3A_149] {strides = array<i32>} : memref<2x128x128xf32, #tpu.memory_space<vmem>>, vector<1x1x16xf32>,
        %swap3A_151 = vector.shape_cast %swap3A_150 : vector<1x1x16xf32> to vector<16xf32>
        %swap3A_152 = vector.shape_cast %broadcast_in_dim3A_116 : vector<16xf32> to vector<1x1x16xf32>
        tpu.vector_store %arg7[%swap3A_147, %swap3A_148, %swap3A_149], %swap3A_152 {strides = array<i32>} : memref<2x128x128xf32, #tpu.memory_space<vmem>>, vector<1x1x16xf32>,
        %swap3A_153 = arith.constant 0 : i32
        %swap3A_154 = arith.index_cast %swap3A_153 : i32 to index
        %swap3A_155 = arith.index_cast %add3A_146 : i32 to index
        %swap3A_156 = arith.constant 16 : index
        %swap3A_157 = tpu.vector_load %arg7[%swap3A_154, %swap3A_155, %swap3A_156] {strides = array<i32>} : memref<2x128x128xf32, #tpu.memory_space<vmem>>, vector<1x1x16xf32>,
        %swap3A_158 = vector.shape_cast %swap3A_157 : vector<1x1x16xf32> to vector<16xf32>
        %swap3A_159 = vector.shape_cast %broadcast_in_dim3A_116 : vector<16xf32> to vector<1x1x16xf32>
        tpu.vector_store %arg7[%swap3A_154, %swap3A_155, %swap3A_156], %swap3A_159 {strides = array<i32>} : memref<2x128x128xf32, #tpu.memory_space<vmem>>, vector<1x1x16xf32>,
        %swap3A_160 = arith.constant 0 : i32
        %swap3A_161 = arith.index_cast %swap3A_160 : i32 to index
        %swap3A_162 = arith.index_cast %add3A_146 : i32 to index
        %swap3A_163 = arith.constant 32 : index
        %swap3A_164 = tpu.vector_load %arg7[%swap3A_161, %swap3A_162, %swap3A_163] {strides = array<i32>} : memref<2x128x128xf32, #tpu.memory_space<vmem>>, vector<1x1x16xf32>,
        %swap3A_165 = vector.shape_cast %swap3A_164 : vector<1x1x16xf32> to vector<16xf32>
        %swap3A_166 = vector.shape_cast %broadcast_in_dim3A_116 : vector<16xf32> to vector<1x1x16xf32>
        tpu.vector_store %arg7[%swap3A_161, %swap3A_162, %swap3A_163], %swap3A_166 {strides = array<i32>} : memref<2x128x128xf32, #tpu.memory_space<vmem>>, vector<1x1x16xf32>,
        %swap3A_167 = arith.constant 0 : i32
        %swap3A_168 = arith.index_cast %swap3A_167 : i32 to index
        %swap3A_169 = arith.index_cast %add3A_146 : i32 to index
        %swap3A_170 = arith.constant 48 : index
        %swap3A_171 = tpu.vector_load %arg7[%swap3A_168, %swap3A_169, %swap3A_170] {strides = array<i32>} : memref<2x128x128xf32, #tpu.memory_space<vmem>>, vector<1x1x16xf32>,
        %swap3A_172 = vector.shape_cast %swap3A_171 : vector<1x1x16xf32> to vector<16xf32>
        %swap3A_173 = vector.shape_cast %broadcast_in_dim3A_116 : vector<16xf32> to vector<1x1x16xf32>
        tpu.vector_store %arg7[%swap3A_168, %swap3A_169, %swap3A_170], %swap3A_173 {strides = array<i32>} : memref<2x128x128xf32, #tpu.memory_space<vmem>>, vector<1x1x16xf32>,
        %swap3A_174 = arith.constant 0 : i32
        %swap3A_175 = arith.index_cast %swap3A_174 : i32 to index
        %swap3A_176 = arith.index_cast %add3A_146 : i32 to index
        %swap3A_177 = arith.constant 64 : index
        %swap3A_178 = tpu.vector_load %arg7[%swap3A_175, %swap3A_176, %swap3A_177] {strides = array<i32>} : memref<2x128x128xf32, #tpu.memory_space<vmem>>, vector<1x1x16xf32>,
        %swap3A_179 = vector.shape_cast %swap3A_178 : vector<1x1x16xf32> to vector<16xf32>
        %swap3A_180 = vector.shape_cast %broadcast_in_dim3A_116 : vector<16xf32> to vector<1x1x16xf32>
        tpu.vector_store %arg7[%swap3A_175, %swap3A_176, %swap3A_177], %swap3A_180 {strides = array<i32>} : memref<2x128x128xf32, #tpu.memory_space<vmem>>, vector<1x1x16xf32>,
        %swap3A_181 = arith.constant 0 : i32
        %swap3A_182 = arith.index_cast %swap3A_181 : i32 to index
        %swap3A_183 = arith.index_cast %add3A_146 : i32 to index
        %swap3A_184 = arith.constant 80 : index
        %swap3A_185 = tpu.vector_load %arg7[%swap3A_182, %swap3A_183, %swap3A_184] {strides = array<i32>} : memref<2x128x128xf32, #tpu.memory_space<vmem>>, vector<1x1x16xf32>,
        %swap3A_186 = vector.shape_cast %swap3A_185 : vector<1x1x16xf32> to vector<16xf32>
        %swap3A_187 = vector.shape_cast %broadcast_in_dim3A_116 : vector<16xf32> to vector<1x1x16xf32>
        tpu.vector_store %arg7[%swap3A_182, %swap3A_183, %swap3A_184], %swap3A_187 {strides = array<i32>} : memref<2x128x128xf32, #tpu.memory_space<vmem>>, vector<1x1x16xf32>,
        %swap3A_188 = arith.constant 0 : i32
        %swap3A_189 = arith.index_cast %swap3A_188 : i32 to index
        %swap3A_190 = arith.index_cast %add3A_146 : i32 to index
        %swap3A_191 = arith.constant 96 : index
        %swap3A_192 = tpu.vector_load %arg7[%swap3A_189, %swap3A_190, %swap3A_191] {strides = array<i32>} : memref<2x128x128xf32, #tpu.memory_space<vmem>>, vector<1x1x16xf32>,
        %swap3A_193 = vector.shape_cast %swap3A_192 : vector<1x1x16xf32> to vector<16xf32>
        %swap3A_194 = vector.shape_cast %broadcast_in_dim3A_116 : vector<16xf32> to vector<1x1x16xf32>
        tpu.vector_store %arg7[%swap3A_189, %swap3A_190, %swap3A_191], %swap3A_194 {strides = array<i32>} : memref<2x128x128xf32, #tpu.memory_space<vmem>>, vector<1x1x16xf32>,
        %swap3A_195 = arith.constant 0 : i32
        %swap3A_196 = arith.index_cast %swap3A_195 : i32 to index
        %swap3A_197 = arith.index_cast %add3A_146 : i32 to index
        %swap3A_198 = arith.constant 112 : index
        %swap3A_199 = tpu.vector_load %arg7[%swap3A_196, %swap3A_197, %swap3A_198] {strides = array<i32>} : memref<2x128x128xf32, #tpu.memory_space<vmem>>, vector<1x1x16xf32>,
        %swap3A_200 = vector.shape_cast %swap3A_199 : vector<1x1x16xf32> to vector<16xf32>
        %swap3A_201 = vector.shape_cast %broadcast_in_dim3A_116 : vector<16xf32> to vector<1x1x16xf32>
        tpu.vector_store %arg7[%swap3A_196, %swap3A_197, %swap3A_198], %swap3A_201 {strides = array<i32>} : memref<2x128x128xf32, #tpu.memory_space<vmem>>, vector<1x1x16xf32>,
      }
      %scan3A_120 = arith.constant 128 : i32
      %mul3A_121 = arith.constant 624 : i32
      %mul3A_122 = arith.muli %arg1, %mul3A_121 : i32
      %add3A_123 = arith.constant 0 : i32
      %add3A_124 = arith.addi %mul3A_122, %add3A_123 : i32
      %run_scoped3A = arith.constant 0 : i32
      "tpu.region"() ({
        %run_scoped3A_142 = tpu.sem_alloc : memref<!tpu.dma_semaphore, #tpu.memory_space<semaphore_mem>>
        %dma_start3A_143 = arith.constant 0 : i32
        %dma_start3A_144 = arith.constant 0 : i32
        %dma_start3A_145 = tpu.memref_slice %arg7[%run_scoped3A, %dma_start3A_143, %dma_start3A_144] : memref<2x128x128xf32, #tpu.memory_space<vmem>> -> memref<1x128x128xf32, #tpu.memory_space<vmem>>
        %dma_start3A_146 = tpu.memref_squeeze %dma_start3A_145 : memref<1x128x128xf32, #tpu.memory_space<vmem>> -> memref<128x128xf32, #tpu.memory_space<vmem>>
        %dma_start3A_147 = arith.constant 0 : i32
        %dma_start3A_148 = tpu.memref_slice %arg8[%add3A_124, %dma_start3A_147] : memref<10000x128xf32, #tpu.memory_space<vmem_shared>> -> memref<128x128xf32, #tpu.memory_space<vmem_shared>>
        %dma_start3A_149 = arith.constant 0 : i32
        %dma_start3A_150 = tpu.memref_slice %arg8[%add3A_124, %dma_start3A_149] : memref<10000x128xf32, #tpu.memory_space<vmem_shared>> -> memref<128x128xf32, #tpu.memory_space<vmem_shared>>
        %dma_start3A_151 = arith.constant 0 : i32
        %dma_start3A_152 = arith.constant 0 : i32
        %dma_start3A_153 = tpu.memref_slice %arg7[%run_scoped3A, %dma_start3A_151, %dma_start3A_152] : memref<2x128x128xf32, #tpu.memory_space<vmem>> -> memref<1x128x128xf32, #tpu.memory_space<vmem>>
        %dma_start3A_154 = tpu.memref_squeeze %dma_start3A_153 : memref<1x128x128xf32, #tpu.memory_space<vmem>> -> memref<128x128xf32, #tpu.memory_space<vmem>>
        tpu.enqueue_dma source(%dma_start3A_154 : memref<128x128xf32, #tpu.memory_space<vmem>>) target(%dma_start3A_150 : memref<128x128xf32, #tpu.memory_space<vmem_shared>>) target_semaphore(%run_scoped3A_142 : memref<!tpu.dma_semaphore, #tpu.memory_space<semaphore_mem>>)
        %dma_wait3A_155 = arith.constant 0 : i32
        %dma_wait3A_156 = arith.constant 0 : i32
        %dma_wait3A_157 = tpu.memref_slice %arg7[%run_scoped3A, %dma_wait3A_155, %dma_wait3A_156] : memref<2x128x128xf32, #tpu.memory_space<vmem>> -> memref<1x128x128xf32, #tpu.memory_space<vmem>>
        %dma_wait3A_158 = tpu.memref_squeeze %dma_wait3A_157 : memref<1x128x128xf32, #tpu.memory_space<vmem>> -> memref<128x128xf32, #tpu.memory_space<vmem>>
        %dma_wait3A_159 = arith.constant 0 : i32
        %dma_wait3A_160 = tpu.memref_slice %arg8[%add3A_124, %dma_wait3A_159] : memref<10000x128xf32, #tpu.memory_space<vmem_shared>> -> memref<128x128xf32, #tpu.memory_space<vmem_shared>>
        %dma_wait3A_161 = arith.constant 0 : i32
        %dma_wait3A_162 = tpu.memref_slice %arg8[%add3A_124, %dma_wait3A_161] : memref<10000x128xf32, #tpu.memory_space<vmem_shared>> -> memref<128x128xf32, #tpu.memory_space<vmem_shared>>
        %dma_wait3A_163 = arith.constant 0 : i32
        %dma_wait3A_164 = arith.constant 0 : i32
        %dma_wait3A_165 = tpu.memref_slice %arg7[%run_scoped3A, %dma_wait3A_163, %dma_wait3A_164] : memref<2x128x128xf32, #tpu.memory_space<vmem>> -> memref<1x128x128xf32, #tpu.memory_space<vmem>>
        %dma_wait3A_166 = tpu.memref_squeeze %dma_wait3A_165 : memref<1x128x128xf32, #tpu.memory_space<vmem>> -> memref<128x128xf32, #tpu.memory_space<vmem>>
        tpu.wait_dma2 semaphore(%run_scoped3A_142 : memref<!tpu.dma_semaphore, #tpu.memory_space<semaphore_mem>>) src(%dma_wait3A_166 : memref<128x128xf32, #tpu.memory_space<vmem>>) dst(%dma_wait3A_162 : memref<128x128xf32, #tpu.memory_space<vmem_shared>>)
        tpu.yield
      }) : () -> ()
      %add3A_125 = arith.constant 128 : i32
      %add3A_126 = arith.addi %mul3A_122, %add3A_125 : i32
      %run_scoped3A_127 = arith.constant 0 : i32
      "tpu.region"() ({
        %run_scoped3A_142 = tpu.sem_alloc : memref<!tpu.dma_semaphore, #tpu.memory_space<semaphore_mem>>
        %dma_start3A_143 = arith.constant 0 : i32
        %dma_start3A_144 = arith.constant 0 : i32
        %dma_start3A_145 = tpu.memref_slice %arg7[%run_scoped3A_127, %dma_start3A_143, %dma_start3A_144] : memref<2x128x128xf32, #tpu.memory_space<vmem>> -> memref<1x128x128xf32, #tpu.memory_space<vmem>>
        %dma_start3A_146 = tpu.memref_squeeze %dma_start3A_145 : memref<1x128x128xf32, #tpu.memory_space<vmem>> -> memref<128x128xf32, #tpu.memory_space<vmem>>
        %dma_start3A_147 = arith.constant 0 : i32
        %dma_start3A_148 = tpu.memref_slice %arg8[%add3A_126, %dma_start3A_147] : memref<10000x128xf32, #tpu.memory_space<vmem_shared>> -> memref<128x128xf32, #tpu.memory_space<vmem_shared>>
        %dma_start3A_149 = arith.constant 0 : i32
        %dma_start3A_150 = tpu.memref_slice %arg8[%add3A_126, %dma_start3A_149] : memref<10000x128xf32, #tpu.memory_space<vmem_shared>> -> memref<128x128xf32, #tpu.memory_space<vmem_shared>>
        %dma_start3A_151 = arith.constant 0 : i32
        %dma_start3A_152 = arith.constant 0 : i32
        %dma_start3A_153 = tpu.memref_slice %arg7[%run_scoped3A_127, %dma_start3A_151, %dma_start3A_152] : memref<2x128x128xf32, #tpu.memory_space<vmem>> -> memref<1x128x128xf32, #tpu.memory_space<vmem>>
        %dma_start3A_154 = tpu.memref_squeeze %dma_start3A_153 : memref<1x128x128xf32, #tpu.memory_space<vmem>> -> memref<128x128xf32, #tpu.memory_space<vmem>>
        tpu.enqueue_dma source(%dma_start3A_154 : memref<128x128xf32, #tpu.memory_space<vmem>>) target(%dma_start3A_150 : memref<128x128xf32, #tpu.memory_space<vmem_shared>>) target_semaphore(%run_scoped3A_142 : memref<!tpu.dma_semaphore, #tpu.memory_space<semaphore_mem>>)
        %dma_wait3A_155 = arith.constant 0 : i32
        %dma_wait3A_156 = arith.constant 0 : i32
        %dma_wait3A_157 = tpu.memref_slice %arg7[%run_scoped3A_127, %dma_wait3A_155, %dma_wait3A_156] : memref<2x128x128xf32, #tpu.memory_space<vmem>> -> memref<1x128x128xf32, #tpu.memory_space<vmem>>
        %dma_wait3A_158 = tpu.memref_squeeze %dma_wait3A_157 : memref<1x128x128xf32, #tpu.memory_space<vmem>> -> memref<128x128xf32, #tpu.memory_space<vmem>>
        %dma_wait3A_159 = arith.constant 0 : i32
        %dma_wait3A_160 = tpu.memref_slice %arg8[%add3A_126, %dma_wait3A_159] : memref<10000x128xf32, #tpu.memory_space<vmem_shared>> -> memref<128x128xf32, #tpu.memory_space<vmem_shared>>
        %dma_wait3A_161 = arith.constant 0 : i32
        %dma_wait3A_162 = tpu.memref_slice %arg8[%add3A_126, %dma_wait3A_161] : memref<10000x128xf32, #tpu.memory_space<vmem_shared>> -> memref<128x128xf32, #tpu.memory_space<vmem_shared>>
        %dma_wait3A_163 = arith.constant 0 : i32
        %dma_wait3A_164 = arith.constant 0 : i32
        %dma_wait3A_165 = tpu.memref_slice %arg7[%run_scoped3A_127, %dma_wait3A_163, %dma_wait3A_164] : memref<2x128x128xf32, #tpu.memory_space<vmem>> -> memref<1x128x128xf32, #tpu.memory_space<vmem>>
        %dma_wait3A_166 = tpu.memref_squeeze %dma_wait3A_165 : memref<1x128x128xf32, #tpu.memory_space<vmem>> -> memref<128x128xf32, #tpu.memory_space<vmem>>
        tpu.wait_dma2 semaphore(%run_scoped3A_142 : memref<!tpu.dma_semaphore, #tpu.memory_space<semaphore_mem>>) src(%dma_wait3A_166 : memref<128x128xf32, #tpu.memory_space<vmem>>) dst(%dma_wait3A_162 : memref<128x128xf32, #tpu.memory_space<vmem_shared>>)
        tpu.yield
      }) : () -> ()
      %add3A_128 = arith.constant 256 : i32
      %add3A_129 = arith.addi %mul3A_122, %add3A_128 : i32
      %run_scoped3A_130 = arith.constant 0 : i32
      "tpu.region"() ({
        %run_scoped3A_142 = tpu.sem_alloc : memref<!tpu.dma_semaphore, #tpu.memory_space<semaphore_mem>>
        %dma_start3A_143 = arith.constant 0 : i32
        %dma_start3A_144 = arith.constant 0 : i32
        %dma_start3A_145 = tpu.memref_slice %arg7[%run_scoped3A_130, %dma_start3A_143, %dma_start3A_144] : memref<2x128x128xf32, #tpu.memory_space<vmem>> -> memref<1x128x128xf32, #tpu.memory_space<vmem>>
        %dma_start3A_146 = tpu.memref_squeeze %dma_start3A_145 : memref<1x128x128xf32, #tpu.memory_space<vmem>> -> memref<128x128xf32, #tpu.memory_space<vmem>>
        %dma_start3A_147 = arith.constant 0 : i32
        %dma_start3A_148 = tpu.memref_slice %arg8[%add3A_129, %dma_start3A_147] : memref<10000x128xf32, #tpu.memory_space<vmem_shared>> -> memref<128x128xf32, #tpu.memory_space<vmem_shared>>
        %dma_start3A_149 = arith.constant 0 : i32
        %dma_start3A_150 = tpu.memref_slice %arg8[%add3A_129, %dma_start3A_149] : memref<10000x128xf32, #tpu.memory_space<vmem_shared>> -> memref<128x128xf32, #tpu.memory_space<vmem_shared>>
        %dma_start3A_151 = arith.constant 0 : i32
        %dma_start3A_152 = arith.constant 0 : i32
        %dma_start3A_153 = tpu.memref_slice %arg7[%run_scoped3A_130, %dma_start3A_151, %dma_start3A_152] : memref<2x128x128xf32, #tpu.memory_space<vmem>> -> memref<1x128x128xf32, #tpu.memory_space<vmem>>
        %dma_start3A_154 = tpu.memref_squeeze %dma_start3A_153 : memref<1x128x128xf32, #tpu.memory_space<vmem>> -> memref<128x128xf32, #tpu.memory_space<vmem>>
        tpu.enqueue_dma source(%dma_start3A_154 : memref<128x128xf32, #tpu.memory_space<vmem>>) target(%dma_start3A_150 : memref<128x128xf32, #tpu.memory_space<vmem_shared>>) target_semaphore(%run_scoped3A_142 : memref<!tpu.dma_semaphore, #tpu.memory_space<semaphore_mem>>)
        %dma_wait3A_155 = arith.constant 0 : i32
        %dma_wait3A_156 = arith.constant 0 : i32
        %dma_wait3A_157 = tpu.memref_slice %arg7[%run_scoped3A_130, %dma_wait3A_155, %dma_wait3A_156] : memref<2x128x128xf32, #tpu.memory_space<vmem>> -> memref<1x128x128xf32, #tpu.memory_space<vmem>>
        %dma_wait3A_158 = tpu.memref_squeeze %dma_wait3A_157 : memref<1x128x128xf32, #tpu.memory_space<vmem>> -> memref<128x128xf32, #tpu.memory_space<vmem>>
        %dma_wait3A_159 = arith.constant 0 : i32
        %dma_wait3A_160 = tpu.memref_slice %arg8[%add3A_129, %dma_wait3A_159] : memref<10000x128xf32, #tpu.memory_space<vmem_shared>> -> memref<128x128xf32, #tpu.memory_space<vmem_shared>>
        %dma_wait3A_161 = arith.constant 0 : i32
        %dma_wait3A_162 = tpu.memref_slice %arg8[%add3A_129, %dma_wait3A_161] : memref<10000x128xf32, #tpu.memory_space<vmem_shared>> -> memref<128x128xf32, #tpu.memory_space<vmem_shared>>
        %dma_wait3A_163 = arith.constant 0 : i32
        %dma_wait3A_164 = arith.constant 0 : i32
        %dma_wait3A_165 = tpu.memref_slice %arg7[%run_scoped3A_130, %dma_wait3A_163, %dma_wait3A_164] : memref<2x128x128xf32, #tpu.memory_space<vmem>> -> memref<1x128x128xf32, #tpu.memory_space<vmem>>
        %dma_wait3A_166 = tpu.memref_squeeze %dma_wait3A_165 : memref<1x128x128xf32, #tpu.memory_space<vmem>> -> memref<128x128xf32, #tpu.memory_space<vmem>>
        tpu.wait_dma2 semaphore(%run_scoped3A_142 : memref<!tpu.dma_semaphore, #tpu.memory_space<semaphore_mem>>) src(%dma_wait3A_166 : memref<128x128xf32, #tpu.memory_space<vmem>>) dst(%dma_wait3A_162 : memref<128x128xf32, #tpu.memory_space<vmem_shared>>)
        tpu.yield
      }) : () -> ()
      %add3A_131 = arith.constant 384 : i32
      %add3A_132 = arith.addi %mul3A_122, %add3A_131 : i32
      %run_scoped3A_133 = arith.constant 0 : i32
      "tpu.region"() ({
        %run_scoped3A_142 = tpu.sem_alloc : memref<!tpu.dma_semaphore, #tpu.memory_space<semaphore_mem>>
        %dma_start3A_143 = arith.constant 0 : i32
        %dma_start3A_144 = arith.constant 0 : i32
        %dma_start3A_145 = tpu.memref_slice %arg7[%run_scoped3A_133, %dma_start3A_143, %dma_start3A_144] : memref<2x128x128xf32, #tpu.memory_space<vmem>> -> memref<1x128x128xf32, #tpu.memory_space<vmem>>
        %dma_start3A_146 = tpu.memref_squeeze %dma_start3A_145 : memref<1x128x128xf32, #tpu.memory_space<vmem>> -> memref<128x128xf32, #tpu.memory_space<vmem>>
        %dma_start3A_147 = arith.constant 0 : i32
        %dma_start3A_148 = tpu.memref_slice %arg8[%add3A_132, %dma_start3A_147] : memref<10000x128xf32, #tpu.memory_space<vmem_shared>> -> memref<128x128xf32, #tpu.memory_space<vmem_shared>>
        %dma_start3A_149 = arith.constant 0 : i32
        %dma_start3A_150 = tpu.memref_slice %arg8[%add3A_132, %dma_start3A_149] : memref<10000x128xf32, #tpu.memory_space<vmem_shared>> -> memref<128x128xf32, #tpu.memory_space<vmem_shared>>
        %dma_start3A_151 = arith.constant 0 : i32
        %dma_start3A_152 = arith.constant 0 : i32
        %dma_start3A_153 = tpu.memref_slice %arg7[%run_scoped3A_133, %dma_start3A_151, %dma_start3A_152] : memref<2x128x128xf32, #tpu.memory_space<vmem>> -> memref<1x128x128xf32, #tpu.memory_space<vmem>>
        %dma_start3A_154 = tpu.memref_squeeze %dma_start3A_153 : memref<1x128x128xf32, #tpu.memory_space<vmem>> -> memref<128x128xf32, #tpu.memory_space<vmem>>
        tpu.enqueue_dma source(%dma_start3A_154 : memref<128x128xf32, #tpu.memory_space<vmem>>) target(%dma_start3A_150 : memref<128x128xf32, #tpu.memory_space<vmem_shared>>) target_semaphore(%run_scoped3A_142 : memref<!tpu.dma_semaphore, #tpu.memory_space<semaphore_mem>>)
        %dma_wait3A_155 = arith.constant 0 : i32
        %dma_wait3A_156 = arith.constant 0 : i32
        %dma_wait3A_157 = tpu.memref_slice %arg7[%run_scoped3A_133, %dma_wait3A_155, %dma_wait3A_156] : memref<2x128x128xf32, #tpu.memory_space<vmem>> -> memref<1x128x128xf32, #tpu.memory_space<vmem>>
        %dma_wait3A_158 = tpu.memref_squeeze %dma_wait3A_157 : memref<1x128x128xf32, #tpu.memory_space<vmem>> -> memref<128x128xf32, #tpu.memory_space<vmem>>
        %dma_wait3A_159 = arith.constant 0 : i32
        %dma_wait3A_160 = tpu.memref_slice %arg8[%add3A_132, %dma_wait3A_159] : memref<10000x128xf32, #tpu.memory_space<vmem_shared>> -> memref<128x128xf32, #tpu.memory_space<vmem_shared>>
        %dma_wait3A_161 = arith.constant 0 : i32
        %dma_wait3A_162 = tpu.memref_slice %arg8[%add3A_132, %dma_wait3A_161] : memref<10000x128xf32, #tpu.memory_space<vmem_shared>> -> memref<128x128xf32, #tpu.memory_space<vmem_shared>>
        %dma_wait3A_163 = arith.constant 0 : i32
        %dma_wait3A_164 = arith.constant 0 : i32
        %dma_wait3A_165 = tpu.memref_slice %arg7[%run_scoped3A_133, %dma_wait3A_163, %dma_wait3A_164] : memref<2x128x128xf32, #tpu.memory_space<vmem>> -> memref<1x128x128xf32, #tpu.memory_space<vmem>>
        %dma_wait3A_166 = tpu.memref_squeeze %dma_wait3A_165 : memref<1x128x128xf32, #tpu.memory_space<vmem>> -> memref<128x128xf32, #tpu.memory_space<vmem>>
        tpu.wait_dma2 semaphore(%run_scoped3A_142 : memref<!tpu.dma_semaphore, #tpu.memory_space<semaphore_mem>>) src(%dma_wait3A_166 : memref<128x128xf32, #tpu.memory_space<vmem>>) dst(%dma_wait3A_162 : memref<128x128xf32, #tpu.memory_space<vmem_shared>>)
        tpu.yield
      }) : () -> ()
      %add3A_134 = arith.constant 512 : i32
      %add3A_135 = arith.addi %mul3A_122, %add3A_134 : i32
      %run_scoped3A_136 = arith.constant 0 : i32
      "tpu.region"() ({
        %run_scoped3A_142 = tpu.sem_alloc : memref<!tpu.dma_semaphore, #tpu.memory_space<semaphore_mem>>
        %dma_start3A_143 = arith.constant 0 : i32
        %dma_start3A_144 = arith.constant 0 : i32
        %dma_start3A_145 = tpu.memref_slice %arg7[%run_scoped3A_136, %dma_start3A_143, %dma_start3A_144] : memref<2x128x128xf32, #tpu.memory_space<vmem>> -> memref<1x128x128xf32, #tpu.memory_space<vmem>>
        %dma_start3A_146 = tpu.memref_squeeze %dma_start3A_145 : memref<1x128x128xf32, #tpu.memory_space<vmem>> -> memref<128x128xf32, #tpu.memory_space<vmem>>
        %dma_start3A_147 = arith.constant 0 : i32
        %dma_start3A_148 = arith.constant 0 : i32
        %dma_start3A_149 = tpu.memref_slice %dma_start3A_146[%dma_start3A_147, %dma_start3A_148] : memref<128x128xf32, #tpu.memory_space<vmem>> -> memref<112x128xf32, #tpu.memory_space<vmem>>
        %dma_start3A_150 = arith.constant 0 : i32
        %dma_start3A_151 = tpu.memref_slice %arg8[%add3A_135, %dma_start3A_150] : memref<10000x128xf32, #tpu.memory_space<vmem_shared>> -> memref<112x128xf32, #tpu.memory_space<vmem_shared>>
        %dma_start3A_152 = arith.constant 0 : i32
        %dma_start3A_153 = tpu.memref_slice %arg8[%add3A_135, %dma_start3A_152] : memref<10000x128xf32, #tpu.memory_space<vmem_shared>> -> memref<112x128xf32, #tpu.memory_space<vmem_shared>>
        %dma_start3A_154 = arith.constant 0 : i32
        %dma_start3A_155 = arith.constant 0 : i32
        %dma_start3A_156 = tpu.memref_slice %arg7[%run_scoped3A_136, %dma_start3A_154, %dma_start3A_155] : memref<2x128x128xf32, #tpu.memory_space<vmem>> -> memref<1x128x128xf32, #tpu.memory_space<vmem>>
        %dma_start3A_157 = tpu.memref_squeeze %dma_start3A_156 : memref<1x128x128xf32, #tpu.memory_space<vmem>> -> memref<128x128xf32, #tpu.memory_space<vmem>>
        %dma_start3A_158 = arith.constant 0 : i32
        %dma_start3A_159 = arith.constant 0 : i32
        %dma_start3A_160 = tpu.memref_slice %dma_start3A_157[%dma_start3A_158, %dma_start3A_159] : memref<128x128xf32, #tpu.memory_space<vmem>> -> memref<112x128xf32, #tpu.memory_space<vmem>>
        tpu.enqueue_dma source(%dma_start3A_160 : memref<112x128xf32, #tpu.memory_space<vmem>>) target(%dma_start3A_153 : memref<112x128xf32, #tpu.memory_space<vmem_shared>>) target_semaphore(%run_scoped3A_142 : memref<!tpu.dma_semaphore, #tpu.memory_space<semaphore_mem>>)
        %dma_wait3A_161 = arith.constant 0 : i32
        %dma_wait3A_162 = arith.constant 0 : i32
        %dma_wait3A_163 = tpu.memref_slice %arg7[%run_scoped3A_136, %dma_wait3A_161, %dma_wait3A_162] : memref<2x128x128xf32, #tpu.memory_space<vmem>> -> memref<1x128x128xf32, #tpu.memory_space<vmem>>
        %dma_wait3A_164 = tpu.memref_squeeze %dma_wait3A_163 : memref<1x128x128xf32, #tpu.memory_space<vmem>> -> memref<128x128xf32, #tpu.memory_space<vmem>>
        %dma_wait3A_165 = arith.constant 0 : i32
        %dma_wait3A_166 = arith.constant 0 : i32
        %dma_wait3A_167 = tpu.memref_slice %dma_wait3A_164[%dma_wait3A_165, %dma_wait3A_166] : memref<128x128xf32, #tpu.memory_space<vmem>> -> memref<112x128xf32, #tpu.memory_space<vmem>>
        %dma_wait3A_168 = arith.constant 0 : i32
        %dma_wait3A_169 = tpu.memref_slice %arg8[%add3A_135, %dma_wait3A_168] : memref<10000x128xf32, #tpu.memory_space<vmem_shared>> -> memref<112x128xf32, #tpu.memory_space<vmem_shared>>
        %dma_wait3A_170 = arith.constant 0 : i32
        %dma_wait3A_171 = tpu.memref_slice %arg8[%add3A_135, %dma_wait3A_170] : memref<10000x128xf32, #tpu.memory_space<vmem_shared>> -> memref<112x128xf32, #tpu.memory_space<vmem_shared>>
        %dma_wait3A_172 = arith.constant 0 : i32
        %dma_wait3A_173 = arith.constant 0 : i32
        %dma_wait3A_174 = tpu.memref_slice %arg7[%run_scoped3A_136, %dma_wait3A_172, %dma_wait3A_173] : memref<2x128x128xf32, #tpu.memory_space<vmem>> -> memref<1x128x128xf32, #tpu.memory_space<vmem>>
        %dma_wait3A_175 = tpu.memref_squeeze %dma_wait3A_174 : memref<1x128x128xf32, #tpu.memory_space<vmem>> -> memref<128x128xf32, #tpu.memory_space<vmem>>
        %dma_wait3A_176 = arith.constant 0 : i32
        %dma_wait3A_177 = arith.constant 0 : i32
        %dma_wait3A_178 = tpu.memref_slice %dma_wait3A_175[%dma_wait3A_176, %dma_wait3A_177] : memref<128x128xf32, #tpu.memory_space<vmem>> -> memref<112x128xf32, #tpu.memory_space<vmem>>
        tpu.wait_dma2 semaphore(%run_scoped3A_142 : memref<!tpu.dma_semaphore, #tpu.memory_space<semaphore_mem>>) src(%dma_wait3A_178 : memref<112x128xf32, #tpu.memory_space<vmem>>) dst(%dma_wait3A_171 : memref<112x128xf32, #tpu.memory_space<vmem_shared>>)
        tpu.yield
      }) : () -> ()
      %eq3A_137 = arith.constant 15 : i32
      %eq3A_138 = arith.cmpi eq, %arg1, %eq3A_137 : i32
      %convert_element_type3A_139 = arith.extui %eq3A_138 : i1 to i32
      %cond3A_140 = arith.constant 0 : i32
      %cond3A_141 = arith.cmpi ne, %convert_element_type3A_139, %cond3A_140 : i32
      scf.if %cond3A_141 {
        %run_scoped3A_142 = arith.constant 0 : i32
        "tpu.region"() ({
          %run_scoped3A_143 = tpu.sem_alloc : memref<!tpu.dma_semaphore, #tpu.memory_space<semaphore_mem>>
          %dma_start3A_144 = arith.constant 0 : i32
          %dma_start3A_145 = arith.constant 0 : i32
          %dma_start3A_146 = tpu.memref_slice %arg7[%run_scoped3A_142, %dma_start3A_144, %dma_start3A_145] : memref<2x128x128xf32, #tpu.memory_space<vmem>> -> memref<1x128x128xf32, #tpu.memory_space<vmem>>
          %dma_start3A_147 = tpu.memref_squeeze %dma_start3A_146 : memref<1x128x128xf32, #tpu.memory_space<vmem>> -> memref<128x128xf32, #tpu.memory_space<vmem>>
          %dma_start3A_148 = arith.constant 0 : i32
          %dma_start3A_149 = arith.constant 0 : i32
          %dma_start3A_150 = tpu.memref_slice %dma_start3A_147[%dma_start3A_148, %dma_start3A_149] : memref<128x128xf32, #tpu.memory_space<vmem>> -> memref<16x128xf32, #tpu.memory_space<vmem>>
          %dma_start3A_151 = arith.constant 9984 : i32
          %dma_start3A_152 = arith.constant 0 : i32
          %dma_start3A_153 = tpu.memref_slice %arg8[%dma_start3A_151, %dma_start3A_152] : memref<10000x128xf32, #tpu.memory_space<vmem_shared>> -> memref<16x128xf32, #tpu.memory_space<vmem_shared>>
          %dma_start3A_154 = arith.constant 9984 : i32
          %dma_start3A_155 = arith.constant 0 : i32
          %dma_start3A_156 = tpu.memref_slice %arg8[%dma_start3A_154, %dma_start3A_155] : memref<10000x128xf32, #tpu.memory_space<vmem_shared>> -> memref<16x128xf32, #tpu.memory_space<vmem_shared>>
          %dma_start3A_157 = arith.constant 0 : i32
          %dma_start3A_158 = arith.constant 0 : i32
          %dma_start3A_159 = tpu.memref_slice %arg7[%run_scoped3A_142, %dma_start3A_157, %dma_start3A_158] : memref<2x128x128xf32, #tpu.memory_space<vmem>> -> memref<1x128x128xf32, #tpu.memory_space<vmem>>
          %dma_start3A_160 = tpu.memref_squeeze %dma_start3A_159 : memref<1x128x128xf32, #tpu.memory_space<vmem>> -> memref<128x128xf32, #tpu.memory_space<vmem>>
          %dma_start3A_161 = arith.constant 0 : i32
          %dma_start3A_162 = arith.constant 0 : i32
          %dma_start3A_163 = tpu.memref_slice %dma_start3A_160[%dma_start3A_161, %dma_start3A_162] : memref<128x128xf32, #tpu.memory_space<vmem>> -> memref<16x128xf32, #tpu.memory_space<vmem>>
          tpu.enqueue_dma source(%dma_start3A_163 : memref<16x128xf32, #tpu.memory_space<vmem>>) target(%dma_start3A_156 : memref<16x128xf32, #tpu.memory_space<vmem_shared>>) target_semaphore(%run_scoped3A_143 : memref<!tpu.dma_semaphore, #tpu.memory_space<semaphore_mem>>)
          %dma_wait3A_164 = arith.constant 0 : i32
          %dma_wait3A_165 = arith.constant 0 : i32
          %dma_wait3A_166 = tpu.memref_slice %arg7[%run_scoped3A_142, %dma_wait3A_164, %dma_wait3A_165] : memref<2x128x128xf32, #tpu.memory_space<vmem>> -> memref<1x128x128xf32, #tpu.memory_space<vmem>>
          %dma_wait3A_167 = tpu.memref_squeeze %dma_wait3A_166 : memref<1x128x128xf32, #tpu.memory_space<vmem>> -> memref<128x128xf32, #tpu.memory_space<vmem>>
          %dma_wait3A_168 = arith.constant 0 : i32
          %dma_wait3A_169 = arith.constant 0 : i32
          %dma_wait3A_170 = tpu.memref_slice %dma_wait3A_167[%dma_wait3A_168, %dma_wait3A_169] : memref<128x128xf32, #tpu.memory_space<vmem>> -> memref<16x128xf32, #tpu.memory_space<vmem>>
          %dma_wait3A_171 = arith.constant 9984 : i32
          %dma_wait3A_172 = arith.constant 0 : i32
          %dma_wait3A_173 = tpu.memref_slice %arg8[%dma_wait3A_171, %dma_wait3A_172] : memref<10000x128xf32, #tpu.memory_space<vmem_shared>> -> memref<16x128xf32, #tpu.memory_space<vmem_shared>>
          %dma_wait3A_174 = arith.constant 9984 : i32
          %dma_wait3A_175 = arith.constant 0 : i32
          %dma_wait3A_176 = tpu.memref_slice %arg8[%dma_wait3A_174, %dma_wait3A_175] : memref<10000x128xf32, #tpu.memory_space<vmem_shared>> -> memref<16x128xf32, #tpu.memory_space<vmem_shared>>
          %dma_wait3A_177 = arith.constant 0 : i32
          %dma_wait3A_178 = arith.constant 0 : i32
          %dma_wait3A_179 = tpu.memref_slice %arg7[%run_scoped3A_142, %dma_wait3A_177, %dma_wait3A_178] : memref<2x128x128xf32, #tpu.memory_space<vmem>> -> memref<1x128x128xf32, #tpu.memory_space<vmem>>
          %dma_wait3A_180 = tpu.memref_squeeze %dma_wait3A_179 : memref<1x128x128xf32, #tpu.memory_space<vmem>> -> memref<128x128xf32, #tpu.memory_space<vmem>>
          %dma_wait3A_181 = arith.constant 0 : i32
          %dma_wait3A_182 = arith.constant 0 : i32
          %dma_wait3A_183 = tpu.memref_slice %dma_wait3A_180[%dma_wait3A_181, %dma_wait3A_182] : memref<128x128xf32, #tpu.memory_space<vmem>> -> memref<16x128xf32, #tpu.memory_space<vmem>>
          tpu.wait_dma2 semaphore(%run_scoped3A_143 : memref<!tpu.dma_semaphore, #tpu.memory_space<semaphore_mem>>) src(%dma_wait3A_183 : memref<16x128xf32, #tpu.memory_space<vmem>>) dst(%dma_wait3A_176 : memref<16x128xf32, #tpu.memory_space<vmem_shared>>)
          tpu.yield
        }) : () -> ()
      } else {
      }
    } else {
    }
    %dma_wait3A = arith.constant 0 : i32
    %dma_wait3A_63 = arith.constant 0 : i32
    %dma_wait3A_64 = arith.constant 0 : i32
    %dma_wait3A_65 = tpu.memref_slice %arg6[%dma_wait3A, %dma_wait3A_63, %dma_wait3A_64] : memref<4x2x128xi32, #tpu.memory_space<vmem>> -> memref<1x2x128xi32, #tpu.memory_space<vmem>>
    %dma_wait3A_66 = arith.constant 0 : i32
    %dma_wait3A_67 = arith.constant 0 : i32
    %dma_wait3A_68 = tpu.memref_slice %arg3[%add3A_4, %dma_wait3A_66, %dma_wait3A_67] : memref<2500x2x128xi32, #tpu.memory_space<hbm>> -> memref<1x2x128xi32, #tpu.memory_space<hbm>>
    %dma_wait3A_69 = arith.constant 0 : i32
    %dma_wait3A_70 = arith.constant 0 : i32
    %dma_wait3A_71 = arith.constant 0 : i32
    %dma_wait3A_72 = tpu.memref_slice %arg6[%dma_wait3A_69, %dma_wait3A_70, %dma_wait3A_71] : memref<4x2x128xi32, #tpu.memory_space<vmem>> -> memref<1x2x128xi32, #tpu.memory_space<vmem>>
    %dma_wait3A_73 = arith.constant 0 : i32
    %dma_wait3A_74 = arith.constant 0 : i32
    %dma_wait3A_75 = tpu.memref_slice %arg3[%add3A_4, %dma_wait3A_73, %dma_wait3A_74] : memref<2500x2x128xi32, #tpu.memory_space<hbm>> -> memref<1x2x128xi32, #tpu.memory_space<hbm>>
    tpu.wait_dma2 semaphore(%arg10 : memref<!tpu.dma_semaphore, #tpu.memory_space<semaphore_mem>>) src(%dma_wait3A_75 : memref<1x2x128xi32, #tpu.memory_space<hbm>>) dst(%dma_wait3A_72 : memref<1x2x128xi32, #tpu.memory_space<vmem>>)
    %dma_start3A_76 = arith.constant 0 : i32
    %dma_start3A_77 = arith.constant 0 : i32
    %dma_start3A_78 = arith.constant 0 : i32
    %dma_start3A_79 = arith.constant 0 : i32
    %dma_start3A_80 = arith.constant 0 : i32
    %dma_start3A_81 = tpu.memref_slice %arg7[%dma_start3A_78, %dma_start3A_79, %dma_start3A_80] : memref<2x128x128xf32, #tpu.memory_space<vmem>> -> memref<1x128x128xf32, #tpu.memory_space<vmem>>
    %dma_start3A_82 = tpu.memref_squeeze %dma_start3A_81 : memref<1x128x128xf32, #tpu.memory_space<vmem>> -> memref<128x128xf32, #tpu.memory_space<vmem>>
    %dma_start3A_83 = arith.constant 0 : i32
    %dma_start3A_84 = tpu.memref_slice %arg6[%dma_start3A_76, %dma_start3A_77, %dma_start3A_83] : memref<4x2x128xi32, #tpu.memory_space<vmem>> -> memref<1x1x128xi32, #tpu.memory_space<vmem>>
    %dma_start3A_85 = tpu.memref_squeeze %dma_start3A_84 : memref<1x1x128xi32, #tpu.memory_space<vmem>> -> memref<128xi32, #tpu.memory_space<vmem>>
    %dma_start3A_86 = arith.constant 0 : i32
    %dma_start3A_87 = arith.constant 0 : i32
    %dma_start3A_88 = tpu.memref_slice %arg2[%dma_start3A_86, %dma_start3A_87] : memref<10000x128xf32, #tpu.memory_space<hbm>> -> memref<10000x128xf32, #tpu.memory_space<hbm>>
    tpu.enqueue_indirect_dma source(%dma_start3A_88 : memref<10000x128xf32, #tpu.memory_space<hbm>>) target(%dma_start3A_82 : memref<128x128xf32, #tpu.memory_space<vmem>>) offsets(%dma_start3A_85 : memref<128xi32, #tpu.memory_space<vmem>>) semaphore(%arg9 : memref<!tpu.dma_semaphore, #tpu.memory_space<semaphore_mem>>)
    %barrier3A = arith.constant 0 : index
    tpu.barrier barrier_id(%barrier3A)
    %sub3A = arith.constant 0 : i32
    %sub3A_89 = arith.subi %add3A_7, %sub3A : i32
    %sub3A_90 = arith.constant 1 : i32
    %sub3A_91 = arith.constant 1 : i32
    %sub3A_92 = arith.subi %sub3A_90, %sub3A_91 : i32
    %add3A_93 = arith.addi %sub3A_89, %sub3A_92 : i32
    %div3A = arith.constant 1 : i32
    %div3A_94 = arith.divsi %add3A_93, %div3A : i32
    %while3A = arith.constant 1 : i32
    %while3A_95 = arith.constant 0 : i32
    %while3A_96 = arith.constant 0 : i32
    %while3A_97 = arith.subi %div3A_94, %while3A_96 : i32
    %while3A_98 = arith.addi %while3A_96, %while3A_97 : i32
    %while3A_99 = arith.constant 1 : i32
    %while3A_100 = arith.divsi %while3A_97, %while3A_99 : i32
    %while3A_101 = arith.muli %while3A_100, %while3A_99 : i32
    %while3A_102 = arith.addi %while3A_96, %while3A_101 : i32
    %while3A_103 = arith.constant 1 : i32
    scf.for %while3A_116 = %while3A_96 to %while3A_102 step %while3A_103  : i32 {
      %mul3A_117 = arith.muli %while3A_116, %while3A : i32
      %add3A_118 = arith.addi %while3A_95, %mul3A_117 : i32
      %jit3A = arith.constant 4 : i32
      %eq3A_119 = arith.constant 0 : i32
      %eq3A_120 = arith.cmpi eq, %jit3A, %eq3A_119 : i32
      %jit3A_121 = arith.constant 1 : i32
      %select_n3A = arith.select %eq3A_120, %jit3A_121, %jit3A : i32
      %rem3A = arith.remsi %add3A_118, %select_n3A : i32
      %ne3A = arith.constant 0 : i32
      %ne3A_122 = arith.cmpi ne, %rem3A, %ne3A : i32
      %lt3A_123 = arith.constant 0 : i32
      %lt3A_124 = arith.cmpi slt, %rem3A, %lt3A_123 : i32
      %lt3A_125 = arith.constant 0 : i32
      %lt3A_126 = arith.cmpi slt, %select_n3A, %lt3A_125 : i32
      %ne3A_127 = arith.xori %lt3A_124, %lt3A_126 : i1
      %and3A = arith.andi %ne3A_127, %ne3A_122 : i1
      %add3A_128 = arith.addi %rem3A, %select_n3A : i32
      %select_n3A_129 = arith.select %and3A, %add3A_128, %rem3A : i32
      %jit3A_130 = arith.constant 2 : i32
      %eq3A_131 = arith.constant 0 : i32
      %eq3A_132 = arith.cmpi eq, %jit3A_130, %eq3A_131 : i32
      %jit3A_133 = arith.constant 1 : i32
      %select_n3A_134 = arith.select %eq3A_132, %jit3A_133, %jit3A_130 : i32
      %rem3A_135 = arith.remsi %add3A_118, %select_n3A_134 : i32
      %ne3A_136 = arith.constant 0 : i32
      %ne3A_137 = arith.cmpi ne, %rem3A_135, %ne3A_136 : i32
      %lt3A_138 = arith.constant 0 : i32
      %lt3A_139 = arith.cmpi slt, %rem3A_135, %lt3A_138 : i32
      %lt3A_140 = arith.constant 0 : i32
      %lt3A_141 = arith.cmpi slt, %select_n3A_134, %lt3A_140 : i32
      %ne3A_142 = arith.xori %lt3A_139, %lt3A_141 : i1
      %and3A_143 = arith.andi %ne3A_142, %ne3A_137 : i1
      %add3A_144 = arith.addi %rem3A_135, %select_n3A_134 : i32
      %select_n3A_145 = arith.select %and3A_143, %add3A_144, %rem3A_135 : i32
      %add3A_146 = arith.constant 1 : i32
      %add3A_147 = arith.addi %add3A_118, %add3A_146 : i32
      %lt3A_148 = arith.cmpi slt, %add3A_147, %add3A_7 : i32
      %convert_element_type3A_149 = arith.extui %lt3A_148 : i1 to i32
      %cond3A_150 = arith.constant 0 : i32
      %cond3A_151 = arith.cmpi ne, %convert_element_type3A_149, %cond3A_150 : i32
      scf.if %cond3A_151 {
        %add3A_169 = arith.constant 1 : i32
        %add3A_170 = arith.addi %add3A_118, %add3A_169 : i32
        %jit3A_171 = arith.constant 4 : i32
        %eq3A_172 = arith.constant 0 : i32
        %eq3A_173 = arith.cmpi eq, %jit3A_171, %eq3A_172 : i32
        %jit3A_174 = arith.constant 1 : i32
        %select_n3A_175 = arith.select %eq3A_173, %jit3A_174, %jit3A_171 : i32
        %rem3A_176 = arith.remsi %add3A_170, %select_n3A_175 : i32
        %ne3A_177 = arith.constant 0 : i32
        %ne3A_178 = arith.cmpi ne, %rem3A_176, %ne3A_177 : i32
        %lt3A_179 = arith.constant 0 : i32
        %lt3A_180 = arith.cmpi slt, %rem3A_176, %lt3A_179 : i32
        %lt3A_181 = arith.constant 0 : i32
        %lt3A_182 = arith.cmpi slt, %select_n3A_175, %lt3A_181 : i32
        %ne3A_183 = arith.xori %lt3A_180, %lt3A_182 : i1
        %and3A_184 = arith.andi %ne3A_183, %ne3A_178 : i1
        %add3A_185 = arith.addi %rem3A_176, %select_n3A_175 : i32
        %select_n3A_186 = arith.select %and3A_184, %add3A_185, %rem3A_176 : i32
        %add3A_187 = arith.addi %add3A_4, %add3A_118 : i32
        %add3A_188 = arith.constant 1 : i32
        %add3A_189 = arith.addi %add3A_187, %add3A_188 : i32
        %dma_wait3A_190 = arith.constant 0 : i32
        %dma_wait3A_191 = arith.constant 0 : i32
        %dma_wait3A_192 = tpu.memref_slice %arg6[%select_n3A_186, %dma_wait3A_190, %dma_wait3A_191] : memref<4x2x128xi32, #tpu.memory_space<vmem>> -> memref<1x2x128xi32, #tpu.memory_space<vmem>>
        %dma_wait3A_193 = arith.constant 0 : i32
        %dma_wait3A_194 = arith.constant 0 : i32
        %dma_wait3A_195 = tpu.memref_slice %arg3[%add3A_189, %dma_wait3A_193, %dma_wait3A_194] : memref<2500x2x128xi32, #tpu.memory_space<hbm>> -> memref<1x2x128xi32, #tpu.memory_space<hbm>>
        %dma_wait3A_196 = arith.constant 0 : i32
        %dma_wait3A_197 = arith.constant 0 : i32
        %dma_wait3A_198 = tpu.memref_slice %arg6[%select_n3A_186, %dma_wait3A_196, %dma_wait3A_197] : memref<4x2x128xi32, #tpu.memory_space<vmem>> -> memref<1x2x128xi32, #tpu.memory_space<vmem>>
        %dma_wait3A_199 = arith.constant 0 : i32
        %dma_wait3A_200 = arith.constant 0 : i32
        %dma_wait3A_201 = tpu.memref_slice %arg3[%add3A_189, %dma_wait3A_199, %dma_wait3A_200] : memref<2500x2x128xi32, #tpu.memory_space<hbm>> -> memref<1x2x128xi32, #tpu.memory_space<hbm>>
        tpu.wait_dma2 semaphore(%arg10 : memref<!tpu.dma_semaphore, #tpu.memory_space<semaphore_mem>>) src(%dma_wait3A_201 : memref<1x2x128xi32, #tpu.memory_space<hbm>>) dst(%dma_wait3A_198 : memref<1x2x128xi32, #tpu.memory_space<vmem>>)
        %sub3A_202 = arith.constant 1 : i32
        %sub3A_203 = arith.subi %sub3A_202, %select_n3A_145 : i32
        %dma_start3A_204 = arith.constant 0 : i32
        %dma_start3A_205 = arith.constant 0 : i32
        %dma_start3A_206 = arith.constant 0 : i32
        %dma_start3A_207 = tpu.memref_slice %arg7[%sub3A_203, %dma_start3A_205, %dma_start3A_206] : memref<2x128x128xf32, #tpu.memory_space<vmem>> -> memref<1x128x128xf32, #tpu.memory_space<vmem>>
        %dma_start3A_208 = tpu.memref_squeeze %dma_start3A_207 : memref<1x128x128xf32, #tpu.memory_space<vmem>> -> memref<128x128xf32, #tpu.memory_space<vmem>>
        %dma_start3A_209 = arith.constant 0 : i32
        %dma_start3A_210 = tpu.memref_slice %arg6[%select_n3A_186, %dma_start3A_204, %dma_start3A_209] : memref<4x2x128xi32, #tpu.memory_space<vmem>> -> memref<1x1x128xi32, #tpu.memory_space<vmem>>
        %dma_start3A_211 = tpu.memref_squeeze %dma_start3A_210 : memref<1x1x128xi32, #tpu.memory_space<vmem>> -> memref<128xi32, #tpu.memory_space<vmem>>
        %dma_start3A_212 = arith.constant 0 : i32
        %dma_start3A_213 = arith.constant 0 : i32
        %dma_start3A_214 = tpu.memref_slice %arg2[%dma_start3A_212, %dma_start3A_213] : memref<10000x128xf32, #tpu.memory_space<hbm>> -> memref<10000x128xf32, #tpu.memory_space<hbm>>
        tpu.enqueue_indirect_dma source(%dma_start3A_214 : memref<10000x128xf32, #tpu.memory_space<hbm>>) target(%dma_start3A_208 : memref<128x128xf32, #tpu.memory_space<vmem>>) offsets(%dma_start3A_211 : memref<128xi32, #tpu.memory_space<vmem>>) semaphore(%arg9 : memref<!tpu.dma_semaphore, #tpu.memory_space<semaphore_mem>>)
      } else {
      }
      %add3A_152 = arith.constant 3 : i32
      %add3A_153 = arith.addi %add3A_118, %add3A_152 : i32
      %lt3A_154 = arith.cmpi slt, %add3A_153, %add3A_7 : i32
      %convert_element_type3A_155 = arith.extui %lt3A_154 : i1 to i32
      %cond3A_156 = arith.constant 0 : i32
      %cond3A_157 = arith.cmpi ne, %convert_element_type3A_155, %cond3A_156 : i32
      scf.if %cond3A_157 {
        %add3A_169 = arith.constant 3 : i32
        %add3A_170 = arith.addi %add3A_118, %add3A_169 : i32
        %jit3A_171 = arith.constant 4 : i32
        %eq3A_172 = arith.constant 0 : i32
        %eq3A_173 = arith.cmpi eq, %jit3A_171, %eq3A_172 : i32
        %jit3A_174 = arith.constant 1 : i32
        %select_n3A_175 = arith.select %eq3A_173, %jit3A_174, %jit3A_171 : i32
        %rem3A_176 = arith.remsi %add3A_170, %select_n3A_175 : i32
        %ne3A_177 = arith.constant 0 : i32
        %ne3A_178 = arith.cmpi ne, %rem3A_176, %ne3A_177 : i32
        %lt3A_179 = arith.constant 0 : i32
        %lt3A_180 = arith.cmpi slt, %rem3A_176, %lt3A_179 : i32
        %lt3A_181 = arith.constant 0 : i32
        %lt3A_182 = arith.cmpi slt, %select_n3A_175, %lt3A_181 : i32
        %ne3A_183 = arith.xori %lt3A_180, %lt3A_182 : i1
        %and3A_184 = arith.andi %ne3A_183, %ne3A_178 : i1
        %add3A_185 = arith.addi %rem3A_176, %select_n3A_175 : i32
        %select_n3A_186 = arith.select %and3A_184, %add3A_185, %rem3A_176 : i32
        %add3A_187 = arith.addi %add3A_4, %add3A_118 : i32
        %add3A_188 = arith.constant 3 : i32
        %add3A_189 = arith.addi %add3A_187, %add3A_188 : i32
        %dma_start3A_190 = arith.constant 0 : i32
        %dma_start3A_191 = arith.constant 0 : i32
        %dma_start3A_192 = tpu.memref_slice %arg6[%select_n3A_186, %dma_start3A_190, %dma_start3A_191] : memref<4x2x128xi32, #tpu.memory_space<vmem>> -> memref<1x2x128xi32, #tpu.memory_space<vmem>>
        %dma_start3A_193 = arith.constant 0 : i32
        %dma_start3A_194 = arith.constant 0 : i32
        %dma_start3A_195 = tpu.memref_slice %arg3[%add3A_189, %dma_start3A_193, %dma_start3A_194] : memref<2500x2x128xi32, #tpu.memory_space<hbm>> -> memref<1x2x128xi32, #tpu.memory_space<hbm>>
        %dma_start3A_196 = arith.constant 0 : i32
        %dma_start3A_197 = arith.constant 0 : i32
        %dma_start3A_198 = tpu.memref_slice %arg6[%select_n3A_186, %dma_start3A_196, %dma_start3A_197] : memref<4x2x128xi32, #tpu.memory_space<vmem>> -> memref<1x2x128xi32, #tpu.memory_space<vmem>>
        %dma_start3A_199 = arith.constant 0 : i32
        %dma_start3A_200 = arith.constant 0 : i32
        %dma_start3A_201 = tpu.memref_slice %arg3[%add3A_189, %dma_start3A_199, %dma_start3A_200] : memref<2500x2x128xi32, #tpu.memory_space<hbm>> -> memref<1x2x128xi32, #tpu.memory_space<hbm>>
        tpu.enqueue_dma source(%dma_start3A_201 : memref<1x2x128xi32, #tpu.memory_space<hbm>>) target(%dma_start3A_198 : memref<1x2x128xi32, #tpu.memory_space<vmem>>) target_semaphore(%arg10 : memref<!tpu.dma_semaphore, #tpu.memory_space<semaphore_mem>>)
      } else {
      }
      %dma_wait3A_158 = arith.constant 0 : i32
      %dma_wait3A_159 = arith.constant 0 : i32
      %dma_wait3A_160 = arith.constant 0 : i32
      %dma_wait3A_161 = tpu.memref_slice %arg7[%select_n3A_145, %dma_wait3A_159, %dma_wait3A_160] : memref<2x128x128xf32, #tpu.memory_space<vmem>> -> memref<1x128x128xf32, #tpu.memory_space<vmem>>
      %dma_wait3A_162 = tpu.memref_squeeze %dma_wait3A_161 : memref<1x128x128xf32, #tpu.memory_space<vmem>> -> memref<128x128xf32, #tpu.memory_space<vmem>>
      %dma_wait3A_163 = arith.constant 0 : i32
      %dma_wait3A_164 = tpu.memref_slice %arg6[%select_n3A_129, %dma_wait3A_158, %dma_wait3A_163] : memref<4x2x128xi32, #tpu.memory_space<vmem>> -> memref<1x1x128xi32, #tpu.memory_space<vmem>>
      %dma_wait3A_165 = tpu.memref_squeeze %dma_wait3A_164 : memref<1x1x128xi32, #tpu.memory_space<vmem>> -> memref<128xi32, #tpu.memory_space<vmem>>
      %dma_wait3A_166 = arith.constant 0 : i32
      %dma_wait3A_167 = arith.constant 0 : i32
      %dma_wait3A_168 = tpu.memref_slice %arg2[%dma_wait3A_166, %dma_wait3A_167] : memref<10000x128xf32, #tpu.memory_space<hbm>> -> memref<10000x128xf32, #tpu.memory_space<hbm>>
      tpu.wait_indirect_dma semaphore(%arg9 : memref<!tpu.dma_semaphore, #tpu.memory_space<semaphore_mem>>) src(%dma_wait3A_168 : memref<10000x128xf32, #tpu.memory_space<hbm>>) dst(%dma_wait3A_162 : memref<128x128xf32, #tpu.memory_space<vmem>>)
      %run_scoped3A = arith.constant 1 : i32
      "tpu.region"() ({
        %run_scoped3A_169 = tpu.sem_alloc : memref<!tpu.dma_semaphore, #tpu.memory_space<semaphore_mem>>
        %dma_start3A_170 = arith.constant 0 : i32
        %dma_start3A_171 = arith.constant 0 : i32
        %dma_start3A_172 = tpu.memref_slice %arg7[%select_n3A_145, %dma_start3A_170, %dma_start3A_171] : memref<2x128x128xf32, #tpu.memory_space<vmem>> -> memref<1x128x128xf32, #tpu.memory_space<vmem>>
        %dma_start3A_173 = tpu.memref_squeeze %dma_start3A_172 : memref<1x128x128xf32, #tpu.memory_space<vmem>> -> memref<128x128xf32, #tpu.memory_space<vmem>>
        %dma_start3A_174 = arith.constant 0 : i32
        %dma_start3A_175 = tpu.memref_slice %arg6[%select_n3A_129, %run_scoped3A, %dma_start3A_174] : memref<4x2x128xi32, #tpu.memory_space<vmem>> -> memref<1x1x128xi32, #tpu.memory_space<vmem>>
        %dma_start3A_176 = tpu.memref_squeeze %dma_start3A_175 : memref<1x1x128xi32, #tpu.memory_space<vmem>> -> memref<128xi32, #tpu.memory_space<vmem>>
        %dma_start3A_177 = arith.constant 0 : i32
        %dma_start3A_178 = arith.constant 0 : i32
        %dma_start3A_179 = tpu.memref_slice %arg8[%dma_start3A_177, %dma_start3A_178] : memref<10000x128xf32, #tpu.memory_space<vmem_shared>> -> memref<10000x128xf32, #tpu.memory_space<vmem_shared>>
        tpu.enqueue_indirect_dma source(%dma_start3A_173 : memref<128x128xf32, #tpu.memory_space<vmem>>) target(%dma_start3A_179 : memref<10000x128xf32, #tpu.memory_space<vmem_shared>>) offsets(%dma_start3A_176 : memref<128xi32, #tpu.memory_space<vmem>>) semaphore(%run_scoped3A_169 : memref<!tpu.dma_semaphore, #tpu.memory_space<semaphore_mem>>) {add = true}
        %dma_wait3A_180 = arith.constant 0 : i32
        %dma_wait3A_181 = arith.constant 0 : i32
        %dma_wait3A_182 = tpu.memref_slice %arg7[%select_n3A_145, %dma_wait3A_180, %dma_wait3A_181] : memref<2x128x128xf32, #tpu.memory_space<vmem>> -> memref<1x128x128xf32, #tpu.memory_space<vmem>>
        %dma_wait3A_183 = tpu.memref_squeeze %dma_wait3A_182 : memref<1x128x128xf32, #tpu.memory_space<vmem>> -> memref<128x128xf32, #tpu.memory_space<vmem>>
        %dma_wait3A_184 = arith.constant 0 : i32
        %dma_wait3A_185 = tpu.memref_slice %arg6[%select_n3A_129, %run_scoped3A, %dma_wait3A_184] : memref<4x2x128xi32, #tpu.memory_space<vmem>> -> memref<1x1x128xi32, #tpu.memory_space<vmem>>
        %dma_wait3A_186 = tpu.memref_squeeze %dma_wait3A_185 : memref<1x1x128xi32, #tpu.memory_space<vmem>> -> memref<128xi32, #tpu.memory_space<vmem>>
        %dma_wait3A_187 = arith.constant 0 : i32
        %dma_wait3A_188 = arith.constant 0 : i32
        %dma_wait3A_189 = tpu.memref_slice %arg8[%dma_wait3A_187, %dma_wait3A_188] : memref<10000x128xf32, #tpu.memory_space<vmem_shared>> -> memref<10000x128xf32, #tpu.memory_space<vmem_shared>>
        tpu.wait_indirect_dma semaphore(%run_scoped3A_169 : memref<!tpu.dma_semaphore, #tpu.memory_space<semaphore_mem>>) src(%dma_wait3A_183 : memref<128x128xf32, #tpu.memory_space<vmem>>) dst(%dma_wait3A_189 : memref<10000x128xf32, #tpu.memory_space<vmem_shared>>)
        tpu.yield
      }) : () -> ()
    }
    %while3A_104 = arith.constant 1 : i32
    scf.for %while3A_116 = %while3A_102 to %while3A_98 step %while3A_104  : i32 {
      %mul3A_117 = arith.muli %while3A_116, %while3A : i32
      %add3A_118 = arith.addi %while3A_95, %mul3A_117 : i32
      %jit3A = arith.constant 4 : i32
      %eq3A_119 = arith.constant 0 : i32
      %eq3A_120 = arith.cmpi eq, %jit3A, %eq3A_119 : i32
      %jit3A_121 = arith.constant 1 : i32
      %select_n3A = arith.select %eq3A_120, %jit3A_121, %jit3A : i32
      %rem3A = arith.remsi %add3A_118, %select_n3A : i32
      %ne3A = arith.constant 0 : i32
      %ne3A_122 = arith.cmpi ne, %rem3A, %ne3A : i32
      %lt3A_123 = arith.constant 0 : i32
      %lt3A_124 = arith.cmpi slt, %rem3A, %lt3A_123 : i32
      %lt3A_125 = arith.constant 0 : i32
      %lt3A_126 = arith.cmpi slt, %select_n3A, %lt3A_125 : i32
      %ne3A_127 = arith.xori %lt3A_124, %lt3A_126 : i1
      %and3A = arith.andi %ne3A_127, %ne3A_122 : i1
      %add3A_128 = arith.addi %rem3A, %select_n3A : i32
      %select_n3A_129 = arith.select %and3A, %add3A_128, %rem3A : i32
      %jit3A_130 = arith.constant 2 : i32
      %eq3A_131 = arith.constant 0 : i32
      %eq3A_132 = arith.cmpi eq, %jit3A_130, %eq3A_131 : i32
      %jit3A_133 = arith.constant 1 : i32
      %select_n3A_134 = arith.select %eq3A_132, %jit3A_133, %jit3A_130 : i32
      %rem3A_135 = arith.remsi %add3A_118, %select_n3A_134 : i32
      %ne3A_136 = arith.constant 0 : i32
      %ne3A_137 = arith.cmpi ne, %rem3A_135, %ne3A_136 : i32
      %lt3A_138 = arith.constant 0 : i32
      %lt3A_139 = arith.cmpi slt, %rem3A_135, %lt3A_138 : i32
      %lt3A_140 = arith.constant 0 : i32
      %lt3A_141 = arith.cmpi slt, %select_n3A_134, %lt3A_140 : i32
      %ne3A_142 = arith.xori %lt3A_139, %lt3A_141 : i1
      %and3A_143 = arith.andi %ne3A_142, %ne3A_137 : i1
      %add3A_144 = arith.addi %rem3A_135, %select_n3A_134 : i32
      %select_n3A_145 = arith.select %and3A_143, %add3A_144, %rem3A_135 : i32
      %add3A_146 = arith.constant 1 : i32
      %add3A_147 = arith.addi %add3A_118, %add3A_146 : i32
      %lt3A_148 = arith.cmpi slt, %add3A_147, %add3A_7 : i32
      %convert_element_type3A_149 = arith.extui %lt3A_148 : i1 to i32
      %cond3A_150 = arith.constant 0 : i32
      %cond3A_151 = arith.cmpi ne, %convert_element_type3A_149, %cond3A_150 : i32
      scf.if %cond3A_151 {
        %add3A_169 = arith.constant 1 : i32
        %add3A_170 = arith.addi %add3A_118, %add3A_169 : i32
        %jit3A_171 = arith.constant 4 : i32
        %eq3A_172 = arith.constant 0 : i32
        %eq3A_173 = arith.cmpi eq, %jit3A_171, %eq3A_172 : i32
        %jit3A_174 = arith.constant 1 : i32
        %select_n3A_175 = arith.select %eq3A_173, %jit3A_174, %jit3A_171 : i32
        %rem3A_176 = arith.remsi %add3A_170, %select_n3A_175 : i32
        %ne3A_177 = arith.constant 0 : i32
        %ne3A_178 = arith.cmpi ne, %rem3A_176, %ne3A_177 : i32
        %lt3A_179 = arith.constant 0 : i32
        %lt3A_180 = arith.cmpi slt, %rem3A_176, %lt3A_179 : i32
        %lt3A_181 = arith.constant 0 : i32
        %lt3A_182 = arith.cmpi slt, %select_n3A_175, %lt3A_181 : i32
        %ne3A_183 = arith.xori %lt3A_180, %lt3A_182 : i1
        %and3A_184 = arith.andi %ne3A_183, %ne3A_178 : i1
        %add3A_185 = arith.addi %rem3A_176, %select_n3A_175 : i32
        %select_n3A_186 = arith.select %and3A_184, %add3A_185, %rem3A_176 : i32
        %add3A_187 = arith.addi %add3A_4, %add3A_118 : i32
        %add3A_188 = arith.constant 1 : i32
        %add3A_189 = arith.addi %add3A_187, %add3A_188 : i32
        %dma_wait3A_190 = arith.constant 0 : i32
        %dma_wait3A_191 = arith.constant 0 : i32
        %dma_wait3A_192 = tpu.memref_slice %arg6[%select_n3A_186, %dma_wait3A_190, %dma_wait3A_191] : memref<4x2x128xi32, #tpu.memory_space<vmem>> -> memref<1x2x128xi32, #tpu.memory_space<vmem>>
        %dma_wait3A_193 = arith.constant 0 : i32
        %dma_wait3A_194 = arith.constant 0 : i32
        %dma_wait3A_195 = tpu.memref_slice %arg3[%add3A_189, %dma_wait3A_193, %dma_wait3A_194] : memref<2500x2x128xi32, #tpu.memory_space<hbm>> -> memref<1x2x128xi32, #tpu.memory_space<hbm>>
        %dma_wait3A_196 = arith.constant 0 : i32
        %dma_wait3A_197 = arith.constant 0 : i32
        %dma_wait3A_198 = tpu.memref_slice %arg6[%select_n3A_186, %dma_wait3A_196, %dma_wait3A_197] : memref<4x2x128xi32, #tpu.memory_space<vmem>> -> memref<1x2x128xi32, #tpu.memory_space<vmem>>
        %dma_wait3A_199 = arith.constant 0 : i32
        %dma_wait3A_200 = arith.constant 0 : i32
        %dma_wait3A_201 = tpu.memref_slice %arg3[%add3A_189, %dma_wait3A_199, %dma_wait3A_200] : memref<2500x2x128xi32, #tpu.memory_space<hbm>> -> memref<1x2x128xi32, #tpu.memory_space<hbm>>
        tpu.wait_dma2 semaphore(%arg10 : memref<!tpu.dma_semaphore, #tpu.memory_space<semaphore_mem>>) src(%dma_wait3A_201 : memref<1x2x128xi32, #tpu.memory_space<hbm>>) dst(%dma_wait3A_198 : memref<1x2x128xi32, #tpu.memory_space<vmem>>)
        %sub3A_202 = arith.constant 1 : i32
        %sub3A_203 = arith.subi %sub3A_202, %select_n3A_145 : i32
        %dma_start3A_204 = arith.constant 0 : i32
        %dma_start3A_205 = arith.constant 0 : i32
        %dma_start3A_206 = arith.constant 0 : i32
        %dma_start3A_207 = tpu.memref_slice %arg7[%sub3A_203, %dma_start3A_205, %dma_start3A_206] : memref<2x128x128xf32, #tpu.memory_space<vmem>> -> memref<1x128x128xf32, #tpu.memory_space<vmem>>
        %dma_start3A_208 = tpu.memref_squeeze %dma_start3A_207 : memref<1x128x128xf32, #tpu.memory_space<vmem>> -> memref<128x128xf32, #tpu.memory_space<vmem>>
        %dma_start3A_209 = arith.constant 0 : i32
        %dma_start3A_210 = tpu.memref_slice %arg6[%select_n3A_186, %dma_start3A_204, %dma_start3A_209] : memref<4x2x128xi32, #tpu.memory_space<vmem>> -> memref<1x1x128xi32, #tpu.memory_space<vmem>>
        %dma_start3A_211 = tpu.memref_squeeze %dma_start3A_210 : memref<1x1x128xi32, #tpu.memory_space<vmem>> -> memref<128xi32, #tpu.memory_space<vmem>>
        %dma_start3A_212 = arith.constant 0 : i32
        %dma_start3A_213 = arith.constant 0 : i32
        %dma_start3A_214 = tpu.memref_slice %arg2[%dma_start3A_212, %dma_start3A_213] : memref<10000x128xf32, #tpu.memory_space<hbm>> -> memref<10000x128xf32, #tpu.memory_space<hbm>>
        tpu.enqueue_indirect_dma source(%dma_start3A_214 : memref<10000x128xf32, #tpu.memory_space<hbm>>) target(%dma_start3A_208 : memref<128x128xf32, #tpu.memory_space<vmem>>) offsets(%dma_start3A_211 : memref<128xi32, #tpu.memory_space<vmem>>) semaphore(%arg9 : memref<!tpu.dma_semaphore, #tpu.memory_space<semaphore_mem>>)
      } else {
      }
      %add3A_152 = arith.constant 3 : i32
      %add3A_153 = arith.addi %add3A_118, %add3A_152 : i32
      %lt3A_154 = arith.cmpi slt, %add3A_153, %add3A_7 : i32
      %convert_element_type3A_155 = arith.extui %lt3A_154 : i1 to i32
      %cond3A_156 = arith.constant 0 : i32
      %cond3A_157 = arith.cmpi ne, %convert_element_type3A_155, %cond3A_156 : i32
      scf.if %cond3A_157 {
        %add3A_169 = arith.constant 3 : i32
        %add3A_170 = arith.addi %add3A_118, %add3A_169 : i32
        %jit3A_171 = arith.constant 4 : i32
        %eq3A_172 = arith.constant 0 : i32
        %eq3A_173 = arith.cmpi eq, %jit3A_171, %eq3A_172 : i32
        %jit3A_174 = arith.constant 1 : i32
        %select_n3A_175 = arith.select %eq3A_173, %jit3A_174, %jit3A_171 : i32
        %rem3A_176 = arith.remsi %add3A_170, %select_n3A_175 : i32
        %ne3A_177 = arith.constant 0 : i32
        %ne3A_178 = arith.cmpi ne, %rem3A_176, %ne3A_177 : i32
        %lt3A_179 = arith.constant 0 : i32
        %lt3A_180 = arith.cmpi slt, %rem3A_176, %lt3A_179 : i32
        %lt3A_181 = arith.constant 0 : i32
        %lt3A_182 = arith.cmpi slt, %select_n3A_175, %lt3A_181 : i32
        %ne3A_183 = arith.xori %lt3A_180, %lt3A_182 : i1
        %and3A_184 = arith.andi %ne3A_183, %ne3A_178 : i1
        %add3A_185 = arith.addi %rem3A_176, %select_n3A_175 : i32
        %select_n3A_186 = arith.select %and3A_184, %add3A_185, %rem3A_176 : i32
        %add3A_187 = arith.addi %add3A_4, %add3A_118 : i32
        %add3A_188 = arith.constant 3 : i32
        %add3A_189 = arith.addi %add3A_187, %add3A_188 : i32
        %dma_start3A_190 = arith.constant 0 : i32
        %dma_start3A_191 = arith.constant 0 : i32
        %dma_start3A_192 = tpu.memref_slice %arg6[%select_n3A_186, %dma_start3A_190, %dma_start3A_191] : memref<4x2x128xi32, #tpu.memory_space<vmem>> -> memref<1x2x128xi32, #tpu.memory_space<vmem>>
        %dma_start3A_193 = arith.constant 0 : i32
        %dma_start3A_194 = arith.constant 0 : i32
        %dma_start3A_195 = tpu.memref_slice %arg3[%add3A_189, %dma_start3A_193, %dma_start3A_194] : memref<2500x2x128xi32, #tpu.memory_space<hbm>> -> memref<1x2x128xi32, #tpu.memory_space<hbm>>
        %dma_start3A_196 = arith.constant 0 : i32
        %dma_start3A_197 = arith.constant 0 : i32
        %dma_start3A_198 = tpu.memref_slice %arg6[%select_n3A_186, %dma_start3A_196, %dma_start3A_197] : memref<4x2x128xi32, #tpu.memory_space<vmem>> -> memref<1x2x128xi32, #tpu.memory_space<vmem>>
        %dma_start3A_199 = arith.constant 0 : i32
        %dma_start3A_200 = arith.constant 0 : i32
        %dma_start3A_201 = tpu.memref_slice %arg3[%add3A_189, %dma_start3A_199, %dma_start3A_200] : memref<2500x2x128xi32, #tpu.memory_space<hbm>> -> memref<1x2x128xi32, #tpu.memory_space<hbm>>
        tpu.enqueue_dma source(%dma_start3A_201 : memref<1x2x128xi32, #tpu.memory_space<hbm>>) target(%dma_start3A_198 : memref<1x2x128xi32, #tpu.memory_space<vmem>>) target_semaphore(%arg10 : memref<!tpu.dma_semaphore, #tpu.memory_space<semaphore_mem>>)
      } else {
      }
      %dma_wait3A_158 = arith.constant 0 : i32
      %dma_wait3A_159 = arith.constant 0 : i32
      %dma_wait3A_160 = arith.constant 0 : i32
      %dma_wait3A_161 = tpu.memref_slice %arg7[%select_n3A_145, %dma_wait3A_159, %dma_wait3A_160] : memref<2x128x128xf32, #tpu.memory_space<vmem>> -> memref<1x128x128xf32, #tpu.memory_space<vmem>>
      %dma_wait3A_162 = tpu.memref_squeeze %dma_wait3A_161 : memref<1x128x128xf32, #tpu.memory_space<vmem>> -> memref<128x128xf32, #tpu.memory_space<vmem>>
      %dma_wait3A_163 = arith.constant 0 : i32
      %dma_wait3A_164 = tpu.memref_slice %arg6[%select_n3A_129, %dma_wait3A_158, %dma_wait3A_163] : memref<4x2x128xi32, #tpu.memory_space<vmem>> -> memref<1x1x128xi32, #tpu.memory_space<vmem>>
      %dma_wait3A_165 = tpu.memref_squeeze %dma_wait3A_164 : memref<1x1x128xi32, #tpu.memory_space<vmem>> -> memref<128xi32, #tpu.memory_space<vmem>>
      %dma_wait3A_166 = arith.constant 0 : i32
      %dma_wait3A_167 = arith.constant 0 : i32
      %dma_wait3A_168 = tpu.memref_slice %arg2[%dma_wait3A_166, %dma_wait3A_167] : memref<10000x128xf32, #tpu.memory_space<hbm>> -> memref<10000x128xf32, #tpu.memory_space<hbm>>
      tpu.wait_indirect_dma semaphore(%arg9 : memref<!tpu.dma_semaphore, #tpu.memory_space<semaphore_mem>>) src(%dma_wait3A_168 : memref<10000x128xf32, #tpu.memory_space<hbm>>) dst(%dma_wait3A_162 : memref<128x128xf32, #tpu.memory_space<vmem>>)
      %run_scoped3A = arith.constant 1 : i32
      "tpu.region"() ({
        %run_scoped3A_169 = tpu.sem_alloc : memref<!tpu.dma_semaphore, #tpu.memory_space<semaphore_mem>>
        %dma_start3A_170 = arith.constant 0 : i32
        %dma_start3A_171 = arith.constant 0 : i32
        %dma_start3A_172 = tpu.memref_slice %arg7[%select_n3A_145, %dma_start3A_170, %dma_start3A_171] : memref<2x128x128xf32, #tpu.memory_space<vmem>> -> memref<1x128x128xf32, #tpu.memory_space<vmem>>
        %dma_start3A_173 = tpu.memref_squeeze %dma_start3A_172 : memref<1x128x128xf32, #tpu.memory_space<vmem>> -> memref<128x128xf32, #tpu.memory_space<vmem>>
        %dma_start3A_174 = arith.constant 0 : i32
        %dma_start3A_175 = tpu.memref_slice %arg6[%select_n3A_129, %run_scoped3A, %dma_start3A_174] : memref<4x2x128xi32, #tpu.memory_space<vmem>> -> memref<1x1x128xi32, #tpu.memory_space<vmem>>
        %dma_start3A_176 = tpu.memref_squeeze %dma_start3A_175 : memref<1x1x128xi32, #tpu.memory_space<vmem>> -> memref<128xi32, #tpu.memory_space<vmem>>
        %dma_start3A_177 = arith.constant 0 : i32
        %dma_start3A_178 = arith.constant 0 : i32
        %dma_start3A_179 = tpu.memref_slice %arg8[%dma_start3A_177, %dma_start3A_178] : memref<10000x128xf32, #tpu.memory_space<vmem_shared>> -> memref<10000x128xf32, #tpu.memory_space<vmem_shared>>
        tpu.enqueue_indirect_dma source(%dma_start3A_173 : memref<128x128xf32, #tpu.memory_space<vmem>>) target(%dma_start3A_179 : memref<10000x128xf32, #tpu.memory_space<vmem_shared>>) offsets(%dma_start3A_176 : memref<128xi32, #tpu.memory_space<vmem>>) semaphore(%run_scoped3A_169 : memref<!tpu.dma_semaphore, #tpu.memory_space<semaphore_mem>>) {add = true}
        %dma_wait3A_180 = arith.constant 0 : i32
        %dma_wait3A_181 = arith.constant 0 : i32
        %dma_wait3A_182 = tpu.memref_slice %arg7[%select_n3A_145, %dma_wait3A_180, %dma_wait3A_181] : memref<2x128x128xf32, #tpu.memory_space<vmem>> -> memref<1x128x128xf32, #tpu.memory_space<vmem>>
        %dma_wait3A_183 = tpu.memref_squeeze %dma_wait3A_182 : memref<1x128x128xf32, #tpu.memory_space<vmem>> -> memref<128x128xf32, #tpu.memory_space<vmem>>
        %dma_wait3A_184 = arith.constant 0 : i32
        %dma_wait3A_185 = tpu.memref_slice %arg6[%select_n3A_129, %run_scoped3A, %dma_wait3A_184] : memref<4x2x128xi32, #tpu.memory_space<vmem>> -> memref<1x1x128xi32, #tpu.memory_space<vmem>>
        %dma_wait3A_186 = tpu.memref_squeeze %dma_wait3A_185 : memref<1x1x128xi32, #tpu.memory_space<vmem>> -> memref<128xi32, #tpu.memory_space<vmem>>
        %dma_wait3A_187 = arith.constant 0 : i32
        %dma_wait3A_188 = arith.constant 0 : i32
        %dma_wait3A_189 = tpu.memref_slice %arg8[%dma_wait3A_187, %dma_wait3A_188] : memref<10000x128xf32, #tpu.memory_space<vmem_shared>> -> memref<10000x128xf32, #tpu.memory_space<vmem_shared>>
        tpu.wait_indirect_dma semaphore(%run_scoped3A_169 : memref<!tpu.dma_semaphore, #tpu.memory_space<semaphore_mem>>) src(%dma_wait3A_183 : memref<128x128xf32, #tpu.memory_space<vmem>>) dst(%dma_wait3A_189 : memref<10000x128xf32, #tpu.memory_space<vmem_shared>>)
        tpu.yield
      }) : () -> ()
    }
    %barrier3A_105 = arith.constant 0 : index
    tpu.barrier barrier_id(%barrier3A_105)
    %eq3A_106 = arith.constant 0 : i32
    %eq3A_107 = arith.cmpi eq, %arg0, %eq3A_106 : i32
    %convert_element_type3A_108 = arith.extui %eq3A_107 : i1 to i32
    %cond3A_109 = arith.constant 0 : i32
    %cond3A_110 = arith.cmpi ne, %convert_element_type3A_108, %cond3A_109 : i32
    scf.if %cond3A_110 {
      %mul3A_116 = arith.constant 624 : i32
      %mul3A_117 = arith.muli %arg1, %mul3A_116 : i32
      %lt3A_118 = arith.constant 15 : i32
      %lt3A_119 = arith.cmpi slt, %arg1, %lt3A_118 : i32
      %convert_element_type3A_120 = arith.extui %lt3A_119 : i1 to i32
      %cond3A_121 = arith.constant 0 : i32
      %cond3A_122 = arith.cmpi ne, %convert_element_type3A_120, %cond3A_121 : i32
      scf.if %cond3A_122 {
        "tpu.region"() ({
          %run_scoped3A = tpu.sem_alloc : memref<!tpu.dma_semaphore, #tpu.memory_space<semaphore_mem>>
          %dma_start3A_128 = arith.constant 0 : i32
          %dma_start3A_129 = tpu.memref_slice %arg4[%mul3A_117, %dma_start3A_128] : memref<10000x128xf32, #tpu.memory_space<hbm>> -> memref<624x128xf32, #tpu.memory_space<hbm>>
          %dma_start3A_130 = arith.constant 0 : i32
          %dma_start3A_131 = tpu.memref_slice %arg8[%mul3A_117, %dma_start3A_130] : memref<10000x128xf32, #tpu.memory_space<vmem_shared>> -> memref<624x128xf32, #tpu.memory_space<vmem_shared>>
          tpu.enqueue_dma source(%dma_start3A_131 : memref<624x128xf32, #tpu.memory_space<vmem_shared>>) target(%dma_start3A_129 : memref<624x128xf32, #tpu.memory_space<hbm>>) target_semaphore(%run_scoped3A : memref<!tpu.dma_semaphore, #tpu.memory_space<semaphore_mem>>)
          %dma_wait3A_132 = arith.constant 0 : i32
          %dma_wait3A_133 = tpu.memref_slice %arg4[%mul3A_117, %dma_wait3A_132] : memref<10000x128xf32, #tpu.memory_space<hbm>> -> memref<624x128xf32, #tpu.memory_space<hbm>>
          %dma_wait3A_134 = arith.constant 0 : i32
          %dma_wait3A_135 = tpu.memref_slice %arg8[%mul3A_117, %dma_wait3A_134] : memref<10000x128xf32, #tpu.memory_space<vmem_shared>> -> memref<624x128xf32, #tpu.memory_space<vmem_shared>>
          tpu.wait_dma2 semaphore(%run_scoped3A : memref<!tpu.dma_semaphore, #tpu.memory_space<semaphore_mem>>) src(%dma_wait3A_135 : memref<624x128xf32, #tpu.memory_space<vmem_shared>>) dst(%dma_wait3A_133 : memref<624x128xf32, #tpu.memory_space<hbm>>)
          tpu.yield
        }) : () -> ()
      } else {
      }
      %eq3A_123 = arith.constant 15 : i32
      %eq3A_124 = arith.cmpi eq, %arg1, %eq3A_123 : i32
      %convert_element_type3A_125 = arith.extui %eq3A_124 : i1 to i32
      %cond3A_126 = arith.constant 0 : i32
      %cond3A_127 = arith.cmpi ne, %convert_element_type3A_125, %cond3A_126 : i32
      scf.if %cond3A_127 {
        "tpu.region"() ({
          %run_scoped3A = tpu.sem_alloc : memref<!tpu.dma_semaphore, #tpu.memory_space<semaphore_mem>>
          %dma_start3A_128 = arith.constant 9360 : i32
          %dma_start3A_129 = arith.constant 0 : i32
          %dma_start3A_130 = tpu.memref_slice %arg4[%dma_start3A_128, %dma_start3A_129] : memref<10000x128xf32, #tpu.memory_space<hbm>> -> memref<640x128xf32, #tpu.memory_space<hbm>>
          %dma_start3A_131 = arith.constant 9360 : i32
          %dma_start3A_132 = arith.constant 0 : i32
          %dma_start3A_133 = tpu.memref_slice %arg8[%dma_start3A_131, %dma_start3A_132] : memref<10000x128xf32, #tpu.memory_space<vmem_shared>> -> memref<640x128xf32, #tpu.memory_space<vmem_shared>>
          tpu.enqueue_dma source(%dma_start3A_133 : memref<640x128xf32, #tpu.memory_space<vmem_shared>>) target(%dma_start3A_130 : memref<640x128xf32, #tpu.memory_space<hbm>>) target_semaphore(%run_scoped3A : memref<!tpu.dma_semaphore, #tpu.memory_space<semaphore_mem>>)
          %dma_wait3A_134 = arith.constant 9360 : i32
          %dma_wait3A_135 = arith.constant 0 : i32
          %dma_wait3A_136 = tpu.memref_slice %arg4[%dma_wait3A_134, %dma_wait3A_135] : memref<10000x128xf32, #tpu.memory_space<hbm>> -> memref<640x128xf32, #tpu.memory_space<hbm>>
          %dma_wait3A_137 = arith.constant 9360 : i32
          %dma_wait3A_138 = arith.constant 0 : i32
          %dma_wait3A_139 = tpu.memref_slice %arg8[%dma_wait3A_137, %dma_wait3A_138] : memref<10000x128xf32, #tpu.memory_space<vmem_shared>> -> memref<640x128xf32, #tpu.memory_space<vmem_shared>>
          tpu.wait_dma2 semaphore(%run_scoped3A : memref<!tpu.dma_semaphore, #tpu.memory_space<semaphore_mem>>) src(%dma_wait3A_139 : memref<640x128xf32, #tpu.memory_space<vmem_shared>>) dst(%dma_wait3A_136 : memref<640x128xf32, #tpu.memory_space<hbm>>)
          tpu.yield
        }) : () -> ()
      } else {
      }
    } else {
    }
    %eq3A_111 = arith.constant 1 : i32
    %eq3A_112 = arith.cmpi eq, %arg0, %eq3A_111 : i32
    %convert_element_type3A_113 = arith.extui %eq3A_112 : i1 to i32
    %cond3A_114 = arith.constant 0 : i32
    %cond3A_115 = arith.cmpi ne, %convert_element_type3A_113, %cond3A_114 : i32
    scf.if %cond3A_115 {
      %mul3A_116 = arith.constant 624 : i32
      %mul3A_117 = arith.muli %arg1, %mul3A_116 : i32
      %lt3A_118 = arith.constant 15 : i32
      %lt3A_119 = arith.cmpi slt, %arg1, %lt3A_118 : i32
      %convert_element_type3A_120 = arith.extui %lt3A_119 : i1 to i32
      %cond3A_121 = arith.constant 0 : i32
      %cond3A_122 = arith.cmpi ne, %convert_element_type3A_120, %cond3A_121 : i32
      scf.if %cond3A_122 {
        "tpu.region"() ({
          %run_scoped3A = tpu.sem_alloc : memref<!tpu.dma_semaphore, #tpu.memory_space<semaphore_mem>>
          %dma_start3A_128 = arith.constant 0 : i32
          %dma_start3A_129 = tpu.memref_slice %arg5[%mul3A_117, %dma_start3A_128] : memref<10000x128xf32, #tpu.memory_space<hbm>> -> memref<624x128xf32, #tpu.memory_space<hbm>>
          %dma_start3A_130 = arith.constant 0 : i32
          %dma_start3A_131 = tpu.memref_slice %arg8[%mul3A_117, %dma_start3A_130] : memref<10000x128xf32, #tpu.memory_space<vmem_shared>> -> memref<624x128xf32, #tpu.memory_space<vmem_shared>>
          tpu.enqueue_dma source(%dma_start3A_131 : memref<624x128xf32, #tpu.memory_space<vmem_shared>>) target(%dma_start3A_129 : memref<624x128xf32, #tpu.memory_space<hbm>>) target_semaphore(%run_scoped3A : memref<!tpu.dma_semaphore, #tpu.memory_space<semaphore_mem>>)
          %dma_wait3A_132 = arith.constant 0 : i32
          %dma_wait3A_133 = tpu.memref_slice %arg5[%mul3A_117, %dma_wait3A_132] : memref<10000x128xf32, #tpu.memory_space<hbm>> -> memref<624x128xf32, #tpu.memory_space<hbm>>
          %dma_wait3A_134 = arith.constant 0 : i32
          %dma_wait3A_135 = tpu.memref_slice %arg8[%mul3A_117, %dma_wait3A_134] : memref<10000x128xf32, #tpu.memory_space<vmem_shared>> -> memref<624x128xf32, #tpu.memory_space<vmem_shared>>
          tpu.wait_dma2 semaphore(%run_scoped3A : memref<!tpu.dma_semaphore, #tpu.memory_space<semaphore_mem>>) src(%dma_wait3A_135 : memref<624x128xf32, #tpu.memory_space<vmem_shared>>) dst(%dma_wait3A_133 : memref<624x128xf32, #tpu.memory_space<hbm>>)
          tpu.yield
        }) : () -> ()
      } else {
      }
      %eq3A_123 = arith.constant 15 : i32
      %eq3A_124 = arith.cmpi eq, %arg1, %eq3A_123 : i32
      %convert_element_type3A_125 = arith.extui %eq3A_124 : i1 to i32
      %cond3A_126 = arith.constant 0 : i32
      %cond3A_127 = arith.cmpi ne, %convert_element_type3A_125, %cond3A_126 : i32
      scf.if %cond3A_127 {
        "tpu.region"() ({
          %run_scoped3A = tpu.sem_alloc : memref<!tpu.dma_semaphore, #tpu.memory_space<semaphore_mem>>
          %dma_start3A_128 = arith.constant 9360 : i32
          %dma_start3A_129 = arith.constant 0 : i32
          %dma_start3A_130 = tpu.memref_slice %arg5[%dma_start3A_128, %dma_start3A_129] : memref<10000x128xf32, #tpu.memory_space<hbm>> -> memref<640x128xf32, #tpu.memory_space<hbm>>
          %dma_start3A_131 = arith.constant 9360 : i32
          %dma_start3A_132 = arith.constant 0 : i32
          %dma_start3A_133 = tpu.memref_slice %arg8[%dma_start3A_131, %dma_start3A_132] : memref<10000x128xf32, #tpu.memory_space<vmem_shared>> -> memref<640x128xf32, #tpu.memory_space<vmem_shared>>
          tpu.enqueue_dma source(%dma_start3A_133 : memref<640x128xf32, #tpu.memory_space<vmem_shared>>) target(%dma_start3A_130 : memref<640x128xf32, #tpu.memory_space<hbm>>) target_semaphore(%run_scoped3A : memref<!tpu.dma_semaphore, #tpu.memory_space<semaphore_mem>>)
          %dma_wait3A_134 = arith.constant 9360 : i32
          %dma_wait3A_135 = arith.constant 0 : i32
          %dma_wait3A_136 = tpu.memref_slice %arg5[%dma_wait3A_134, %dma_wait3A_135] : memref<10000x128xf32, #tpu.memory_space<hbm>> -> memref<640x128xf32, #tpu.memory_space<hbm>>
          %dma_wait3A_137 = arith.constant 9360 : i32
          %dma_wait3A_138 = arith.constant 0 : i32
          %dma_wait3A_139 = tpu.memref_slice %arg8[%dma_wait3A_137, %dma_wait3A_138] : memref<10000x128xf32, #tpu.memory_space<vmem_shared>> -> memref<640x128xf32, #tpu.memory_space<vmem_shared>>
          tpu.wait_dma2 semaphore(%run_scoped3A : memref<!tpu.dma_semaphore, #tpu.memory_space<semaphore_mem>>) src(%dma_wait3A_139 : memref<640x128xf32, #tpu.memory_space<vmem_shared>>) dst(%dma_wait3A_136 : memref<640x128xf32, #tpu.memory_space<hbm>>)
          tpu.yield
        }) : () -> ()
      } else {
      }
    } else {
    }
    return
  }
}

module attributes {stable_mosaic.version = 14 : i64} {
  func.func @_mm_body(%arg0: i32, %arg1: memref<1000x128xf32, #tpu.memory_space<vmem>>, %arg2: memref<128x128xf32, #tpu.memory_space<vmem>>, %arg3: memref<1000x16xf32, #tpu.memory_space<vmem>>, %arg4: memref<1000x16xf32, #tpu.memory_space<vmem>>, %arg5: memref<1000x128xf32, #tpu.memory_space<vmem>>, %arg6: memref<1000x16xf32, #tpu.memory_space<vmem>>) attributes {dimension_semantics = [#tpu.dimension_semantics<arbitrary>], iteration_bounds = array<i64: 10>, scalar_prefetch = 0 : i64, scratch_operands = 0 : i64, tpu.core_type = #tpu.core_type<tc>, window_params = [{transform_indices = @transform_0, window_bounds = array<i64: 1000, 128>}, {pipeline_mode = #tpu.pipeline_mode<synchronous>, transform_indices = @transform_1, window_bounds = array<i64: 128, 128>}, {transform_indices = @transform_2, window_bounds = array<i64: 1000, 16>}, {transform_indices = @transform_3, window_bounds = array<i64: 1000, 16>}, {transform_indices = @transform_4, window_bounds = array<i64: 1000, 128>}, {transform_indices = @transform_5, window_bounds = array<i64: 1000, 16>}]} {
    %get3A = arith.constant 0 : index
    %get3A_0 = arith.constant 0 : index
    %get3A_1 = vector.load %arg3[%get3A, %get3A_0] : memref<1000x16xf32, #tpu.memory_space<vmem>>, vector<1000x16xf32>
    %get3A_2 = arith.constant 0 : index
    %get3A_3 = arith.constant 0 : index
    %get3A_4 = vector.load %arg4[%get3A_2, %get3A_3] : memref<1000x16xf32, #tpu.memory_space<vmem>>, vector<1000x16xf32>
    %add3A = arith.addf %get3A_1, %get3A_4 : vector<1000x16xf32>
    %add3A_5 = arith.constant 1.000000e+00 : f32
    %add3A_6 = vector.broadcast %add3A_5 : f32 to vector<1000x16xf32>
    %add3A_7 = arith.addf %add3A, %add3A_6 : vector<1000x16xf32>
    %rsqrt3A = math.rsqrt %add3A_7 : vector<1000x16xf32>
    %get3A_8 = arith.constant 0 : index
    %get3A_9 = arith.constant 0 : index
    %get3A_10 = vector.load %arg1[%get3A_8, %get3A_9] : memref<1000x128xf32, #tpu.memory_space<vmem>>, vector<1000x128xf32>
    %get3A_11 = arith.constant 0 : index
    %get3A_12 = arith.constant 0 : index
    %get3A_13 = vector.load %arg2[%get3A_11, %get3A_12] : memref<128x128xf32, #tpu.memory_space<vmem>>, vector<128x128xf32>
    %dot_general3A = arith.constant dense<0.000000e+00> : vector<1000x128xf32>
    %dot_general3A_14 = tpu.matmul %get3A_10, %get3A_13, %dot_general3A {dimension_numbers = #tpu.dot_dimension_numbers<[1], [0], [0], [1], [0, 0, 1, 1], [], []>, transpose_lhs_hint = false} : vector<1000x128xf32>, vector<128x128xf32>, vector<1000x128xf32> -> vector<1000x128xf32>
    %slice3A = vector.extract_strided_slice %rsqrt3A {offsets = [0, 0], sizes = [1000, 1], strides = [1, 1]} : vector<1000x16xf32> to vector<1000x1xf32>
    %mul3A = vector.broadcast %slice3A : vector<1000x1xf32> to vector<1000x128xf32>
    %mul3A_15 = arith.mulf %dot_general3A_14, %mul3A : vector<1000x128xf32>
    %swap3A = arith.constant 0 : index
    %swap3A_16 = arith.constant 0 : index
    %swap3A_17 = vector.load %arg5[%swap3A, %swap3A_16] : memref<1000x128xf32, #tpu.memory_space<vmem>>, vector<1000x128xf32>
    tpu.vector_store %arg5[%swap3A, %swap3A_16], %mul3A_15 {strides = array<i32>} : memref<1000x128xf32, #tpu.memory_space<vmem>>, vector<1000x128xf32>,
    %swap3A_18 = arith.constant 0 : index
    %swap3A_19 = arith.constant 0 : index
    %swap3A_20 = vector.load %arg6[%swap3A_18, %swap3A_19] : memref<1000x16xf32, #tpu.memory_space<vmem>>, vector<1000x16xf32>
    tpu.vector_store %arg6[%swap3A_18, %swap3A_19], %rsqrt3A {strides = array<i32>} : memref<1000x16xf32, #tpu.memory_space<vmem>>, vector<1000x16xf32>,
    return
  }
  func.func @transform_0(%arg0: i32) -> (i32, i32) {
    %c0_i32 = arith.constant 0 : i32
    %c0_i32_0 = arith.constant 0 : i32
    return %arg0, %c0_i32 : i32, i32
  }
  func.func @transform_1(%arg0: i32) -> (i32, i32) {
    %c0_i32 = arith.constant 0 : i32
    %c0_i32_0 = arith.constant 0 : i32
    %c0_i32_1 = arith.constant 0 : i32
    return %c0_i32, %c0_i32_0 : i32, i32
  }
  func.func @transform_2(%arg0: i32) -> (i32, i32) {
    %c0_i32 = arith.constant 0 : i32
    %c0_i32_0 = arith.constant 0 : i32
    return %arg0, %c0_i32 : i32, i32
  }
  func.func @transform_3(%arg0: i32) -> (i32, i32) {
    %c0_i32 = arith.constant 0 : i32
    %c0_i32_0 = arith.constant 0 : i32
    return %arg0, %c0_i32 : i32, i32
  }
  func.func @transform_4(%arg0: i32) -> (i32, i32) {
    %c0_i32 = arith.constant 0 : i32
    %c0_i32_0 = arith.constant 0 : i32
    return %arg0, %c0_i32 : i32, i32
  }
  func.func @transform_5(%arg0: i32) -> (i32, i32) {
    %c0_i32 = arith.constant 0 : i32
    %c0_i32_0 = arith.constant 0 : i32
    return %arg0, %c0_i32 : i32, i32
  }
}

module attributes {stable_mosaic.version = 14 : i64} {
  func.func @_combine_body(%arg0: i32, %arg1: memref<1000x128xf32, #tpu.memory_space<vmem>>, %arg2: memref<1000x128xf32, #tpu.memory_space<vmem>>, %arg3: memref<1000x16xf32, #tpu.memory_space<vmem>>, %arg4: memref<128xf32, #tpu.memory_space<vmem>>, %arg5: memref<1000x128xf32, #tpu.memory_space<vmem>>) attributes {dimension_semantics = [#tpu.dimension_semantics<arbitrary>], iteration_bounds = array<i64: 10>, scalar_prefetch = 0 : i64, scratch_operands = 0 : i64, tpu.core_type = #tpu.core_type<tc>, window_params = [{transform_indices = @transform_0, window_bounds = array<i64: 1000, 128>}, {transform_indices = @transform_1, window_bounds = array<i64: 1000, 128>}, {transform_indices = @transform_2, window_bounds = array<i64: 1000, 16>}, {pipeline_mode = #tpu.pipeline_mode<synchronous>, transform_indices = @transform_3, window_bounds = array<i64: 128>}, {transform_indices = @transform_4, window_bounds = array<i64: 1000, 128>}]} {
    %get3A = arith.constant 0 : index
    %get3A_0 = arith.constant 0 : index
    %get3A_1 = vector.load %arg1[%get3A, %get3A_0] : memref<1000x128xf32, #tpu.memory_space<vmem>>, vector<1000x128xf32>
    %get3A_2 = arith.constant 0 : index
    %get3A_3 = arith.constant 0 : index
    %get3A_4 = vector.load %arg2[%get3A_2, %get3A_3] : memref<1000x128xf32, #tpu.memory_space<vmem>>, vector<1000x128xf32>
    %add3A = arith.addf %get3A_1, %get3A_4 : vector<1000x128xf32>
    %get3A_5 = arith.constant 0 : index
    %get3A_6 = arith.constant 0 : index
    %get3A_7 = vector.load %arg3[%get3A_5, %get3A_6] : memref<1000x16xf32, #tpu.memory_space<vmem>>, vector<1000x1xf32>
    %mul3A = vector.broadcast %get3A_7 : vector<1000x1xf32> to vector<1000x128xf32>
    %mul3A_8 = arith.mulf %add3A, %mul3A : vector<1000x128xf32>
    %get3A_9 = arith.constant 0 : index
    %get3A_10 = vector.load %arg4[%get3A_9] : memref<128xf32, #tpu.memory_space<vmem>>, vector<128xf32>
    %broadcast_in_dim3A = vector.shape_cast %get3A_10 : vector<128xf32> to vector<1x128xf32>
    %add3A_11 = vector.broadcast %broadcast_in_dim3A : vector<1x128xf32> to vector<1000x128xf32>
    %add3A_12 = arith.addf %mul3A_8, %add3A_11 : vector<1000x128xf32>
    %max3A = arith.constant 0.000000e+00 : f32
    %max3A_13 = vector.broadcast %max3A : f32 to vector<1000x128xf32>
    %max3A_14 = arith.maximumf %add3A_12, %max3A_13 : vector<1000x128xf32>
    %swap3A = arith.constant 0 : index
    %swap3A_15 = arith.constant 0 : index
    %swap3A_16 = vector.load %arg5[%swap3A, %swap3A_15] : memref<1000x128xf32, #tpu.memory_space<vmem>>, vector<1000x128xf32>
    tpu.vector_store %arg5[%swap3A, %swap3A_15], %max3A_14 {strides = array<i32>} : memref<1000x128xf32, #tpu.memory_space<vmem>>, vector<1000x128xf32>,
    return
  }
  func.func @transform_0(%arg0: i32) -> (i32, i32) {
    %c0_i32 = arith.constant 0 : i32
    %c0_i32_0 = arith.constant 0 : i32
    return %arg0, %c0_i32 : i32, i32
  }
  func.func @transform_1(%arg0: i32) -> (i32, i32) {
    %c0_i32 = arith.constant 0 : i32
    %c0_i32_0 = arith.constant 0 : i32
    return %arg0, %c0_i32 : i32, i32
  }
  func.func @transform_2(%arg0: i32) -> (i32, i32) {
    %c0_i32 = arith.constant 0 : i32
    %c0_i32_0 = arith.constant 0 : i32
    return %arg0, %c0_i32 : i32, i32
  }
  func.func @transform_3(%arg0: i32) -> i32 {
    %c0_i32 = arith.constant 0 : i32
    %c0_i32_0 = arith.constant 0 : i32
    return %c0_i32 : i32
  }
  func.func @transform_4(%arg0: i32) -> (i32, i32) {
    %c0_i32 = arith.constant 0 : i32
    %c0_i32_0 = arith.constant 0 : i32
    return %arg0, %c0_i32 : i32, i32
  }
}

</mosaic_0001>

<sc_bundles>
// kernel: kernel.6.cloned.1.call-start
scs
__scs_entry_jumppad:
0x0: {  	(pc) =	sbr.rel $0x88, $3  }
0x1: {  	(tag) =	ssettag $0x0;
	lr =	simm.s32 $0x1  }
0x2: {  	[smem:$0x3F9D] =	sst lr;
	_ =	strace $0xD0000000  }
0x3: {  	_ = 	snop  }
0x4: {  	_ = 	snop  }
0x5: {  	_ = 	snop  }
0x6: {  	_ = 	snop  }
0x7: {  	_ = 	snop  }
__scs_overlays_trampoline_lowered:
0x8: {  	[smem:$0x3FAC] =	sst s0  }
0x9: {  	[smem:$0x3FAD] =	sst s1  }
0xa: {  	[smem:$0x3FAE] =	sst s2  }
0xb: {  	[smem:$0x3FAF] =	sst s3  }
0xc: {  	[smem:$0x3FB0] =	sst s4  }
0xd: {  	[smem:$0x3FB1] =	sst s5  }
0xe: {  	[smem:$0x3FB2] =	sst s6  }
0xf: {  	[smem:$0x3FB3] =	sst s7  }
0x10: {  	[smem:$0x3FB4] =	sst s8  }
0x11: {  	[smem:$0x3FB5] =	sst s9;
	s0 =	simm.s32 @!p0 $0x0  }
0x12: {  	s1 =	sld [smem:$0x3F9B];
	s0 =	simm.s32 @p0 $0x1  }
0x13: {  	[smem:$0x3FB6] =	sst s0;
	s0 =	simm.s32 @!p1 $0x0  }
0x14: {  	s2 =	sld [smem:$0x3F9A];
	s0 =	simm.s32 @p1 $0x1  }
0x15: {  	[smem:$0x3FB7] =	sst s0;
	s0 =	simm.s32 @!p2 $0x0  }
0x16: {  	s3 =	sld [smem:$0x3FDB];
	s0 =	simm.s32 @p2 $0x1  }
0x17: {  	s4 =	simm.s32 $0x1BF5;
	[smem:$0x3FB9] =	sst s0  }
0x18: {  	s0 =	sld [smem:$0x3F9C];
	_ =	swait.ge [sflag:s4], $0x0  }
0x19: {  	s7 =	sld [smem:$0x3F9D]  }
0x1a: {  	s8 =	sadd.s32 $0xFFFFE003, lr  }
0x1b: {  	s9 =	sadd.s32 $0xFFFFFEF7, lr;
	s5 =	simm.s32 $0xFFFFFFFF;
	p2 =	slt.u32 s8, $0xFFFFF086  }
0x1c: {  	p1 =	slt.u32 s9, $0xF7A;
	s5 =	simm.s32 @!p2 $0x0  }
0x1d: {  	s5 =	simm.s32 @p1 $0x1;
	p0 =	seq.s32 s7, s2  }
0x1e: {  	s7 =	smul.u32 @!p0 $0xF7A, s2;
	p2 =	seq.s32 @!p0 s5, $0x0  }
0x1f: {  	s9 =	smul.u32 $0xF7A, s1;
	s8 =	simm.s32 @!p0 $0x1BF5;
	p2 =	por !p2, p0  }
0x20: {  	[sflag:s8] =	ssyncset.s32 @!p0 $0xFFFFF086;
	s6 =	sadd.s32 @!p0 s3, s7;
	s7 =	simm.s32 @!p0 $0x108  }
0x21: {  	s3 =	sadd.s32 s3, s9;
	s6 =	sadd.s32 @!p0 $0x88, s6;
	s7 =	simm.s32 @p2 $0x1082  }
0x22: {  	[simem:s7], [sflag:s8] =	dma.local @!p0 [hbm:s6], $0xF7A  }
0x23: {  	s9 =	sor.u32 $0xD0000000, s2;
	s6 =	simm.s32 $0x108;
	_ =	swait.ge @!p0 [sflag:s8], $0x0  }
0x24: {  	s3 =	sadd.s32 $0x88, s3;
	s6 =	simm.s32 @!p1 $0x1082;
	[sflag:s4] =	ssyncset.s32 $0xFFFFF086  }
0x25: {  	[simem:s6], [sflag:s4] =	dma.local [hbm:s3], $0xF7A  }
0x26: {  	[smem:$0x3F9D] =	sst s1;
	(tag) =	ssettag s2;
	_ =	strace s9  }
0x27: {  	s1 =	sld [smem:$0x3FAD]  }
0x28: {  	s2 =	sld [smem:$0x3FAE]  }
0x29: {  	s4 =	sld [smem:$0x3FB0]  }
0x2a: {  	p0 =	seq.s32 s5, $0x0;
	s5 =	sld [smem:$0x3FB1]  }
0x2b: {  	s6 =	sld [smem:$0x3FB2]  }
0x2c: {  	s7 =	sld [smem:$0x3FB3]  }
0x2d: {  	s3 =	simm.s32 $0x108;
	s8 =	sld [smem:$0x3FB4]  }
0x2e: {  	s3 =	simm.s32 @!p0 $0x1082;
	s9 =	sld [smem:$0x3FB5]  }
0x2f: {  	lr =	sadd.s32 s0, s3;
	s0 =	sld [smem:$0x3FAC]  }
0x30: {  	s3 =	sld [smem:$0x3FAF]  }
0x31: {  	[smem:$0x3FB8] =	sst s10  }
0x32: {  	s10 =	sld [smem:$0x3FB6];
	_ =	sdelay $0x3  }
0x33: {  	p0 =	seq.s32 s10, $0x1;
	s10 =	sld [smem:$0x3FB8];
	_ =	sdelay $0x3  }
0x34: {  	[smem:$0x3FB8] =	sst s10  }
0x35: {  	s10 =	sld [smem:$0x3FB7];
	_ =	sdelay $0x3  }
0x36: {  	p1 =	seq.s32 s10, $0x1;
	s10 =	sld [smem:$0x3FB8];
	_ =	sdelay $0x3  }
0x37: {  	[smem:$0x3FB8] =	sst s10  }
0x38: {  	s10 =	sld [smem:$0x3FB9]  }
0x39: {  	_ = 	snop;
	(pc) =	sbr.ind lr, $3  }
0x3a: {  	_ = 	snop  }
0x3b: {  	_ = 	snop  }
0x3c: {  	p2 =	seq.s32 s10, $0x1;
	s10 =	sld [smem:$0x3FB8]  }
0x3d: {  	_ =	shalt  }
0x3e: {  	_ =	shalt  }
0x3f: {  	_ =	shalt  }
0x40: {  	_ =	shalt  }
0x41: {  	_ =	shalt  }
0x42: {  	_ =	shalt  }
0x43: {  	_ =	shalt  }
0x44: {  	_ =	shalt  }
0x45: {  	_ =	shalt  }
0x46: {  	_ =	shalt  }
0x47: {  	_ =	shalt  }
0x48: {  	_ =	shalt  }
0x49: {  	_ =	shalt  }
0x4a: {  	_ =	shalt  }
0x4b: {  	_ =	shalt  }
0x4c: {  	_ =	shalt  }
0x4d: {  	_ =	shalt  }
0x4e: {  	_ =	shalt  }
0x4f: {  	_ =	shalt  }
0x50: {  	_ =	shalt  }
0x51: {  	_ =	shalt  }
0x52: {  	_ =	shalt  }
0x53: {  	_ =	shalt  }
0x54: {  	_ =	shalt  }
0x55: {  	_ =	shalt  }
0x56: {  	_ =	shalt  }
0x57: {  	_ =	shalt  }
0x58: {  	_ =	shalt  }
0x59: {  	_ =	shalt  }
0x5a: {  	_ =	shalt  }
0x5b: {  	_ =	shalt  }
0x5c: {  	_ =	shalt  }
0x5d: {  	_ =	shalt  }
0x5e: {  	_ =	shalt  }
0x5f: {  	_ =	shalt  }
0x60: {  	_ =	shalt  }
0x61: {  	_ =	shalt  }
0x62: {  	_ =	shalt  }
0x63: {  	_ =	shalt  }
0x64: {  	_ =	shalt  }
0x65: {  	_ =	shalt  }
0x66: {  	_ =	shalt  }
0x67: {  	_ =	shalt  }
0x68: {  	_ =	shalt  }
0x69: {  	_ =	shalt  }
0x6a: {  	_ =	shalt  }
0x6b: {  	_ =	shalt  }
0x6c: {  	_ =	shalt  }
0x6d: {  	_ =	shalt  }
0x6e: {  	_ =	shalt  }
0x6f: {  	_ =	shalt  }
0x70: {  	_ =	shalt  }
0x71: {  	_ =	shalt  }
0x72: {  	_ =	shalt  }
0x73: {  	_ =	shalt  }
0x74: {  	_ =	shalt  }
0x75: {  	_ =	shalt  }
0x76: {  	_ =	shalt  }
0x77: {  	_ =	shalt  }
0x78: {  	_ =	shalt  }
0x79: {  	_ =	shalt  }
0x7a: {  	_ =	shalt  }
0x7b: {  	_ =	shalt  }
0x7c: {  	_ =	shalt  }
0x7d: {  	_ =	shalt  }
0x7e: {  	_ =	shalt  }
0x7f: {  	_ =	shalt  }
0x80: {  	_ =	shalt  }
0x81: {  	_ =	shalt  }
0x82: {  	_ =	shalt  }
0x83: {  	_ =	shalt  }
0x84: {  	_ =	shalt  }
0x85: {  	_ =	shalt  }
0x86: {  	_ =	shalt  }
0x87: {  	_ =	shalt  }
.Lfunc_end0:
.L_simem_size_0:
called_computation_lowered:
.L_overlay_start_0:
0x88: {  	s2 =	sld [smem:$0x3FD9]  }
0x89: {  	s3 =	sld [smem:$0x3FFE];
	_ =	sdelay $0x1  }
0x8a: {  	s1 =	srdreg.scid  }
0x8b: {  	s0 =	sand.u32 $0x1, s1  }
0x8c: {  	s17 =	sshll.u32 s0, $0xA;
	s2 =	sadd.s32 s3, s2  }
0x8d: {  	s2 =	sadd.s32 s2, s17  }
0x8e: {  	[smem:$0x3FC4] =	sst s2  }
0x8f: {  	_ = 	snop  }
0x90: {  	s2 =	sld [smem:$0x3FC8]  }
0x91: {  	s18 =	sld [smem:$0x3FD0];
	(tm) =	ssettm $0x1  }
0x92: {  	s4 =	sld [smem:$0x3FFB];
	_ =	sdelay $0x3  }
0x93: {  	_ =	strace s4  }
0x94: {  	s4 =	sld [smem:$0x3FFC];
	_ =	sdelay $0x3  }
0x95: {  	_ =	strace s4  }
0x96: {  	s4 =	sld [smem:$0x3FFD];
	_ =	sdelay $0x3  }
0x97: {  	_ =	strace s4  }
0x98: {  	_ =	strace $0x8FFFFFFF  }
0x99: {  	s19 =	sld [smem:$0x3FDB];
	_ =	sdelay $0x1  }
0x9a: {  	s5 =	simm.s32 $_scs_section_size  }
0x9b: {  	s6 =	simm.s32 $_size__tile_overlayer_lowered;
	s7 =	simm.s32 $_tile_overlayer_lowered  }
0x9c: {  	s22 =	simm.s32 $0x1BFF;
	s21 =	sshll.u32 s7, $0x1;
	s4 =	sadd.s32 s5, s19  }
0x9d: {  	s8 =	simm.s32 $0x0;
	s20 =	sshll.u32 s6, $0x1;
	s6 =	sadd.s32 s21, s4  }
0x9e: {  	[timem:s8], [sflag:s22] =	dma.local [hbm:s6], s20  }
0x9f: {  	_ =	swait.ge [sflag:s22], s20  }
0xa0: {  	s5 =	ssub.s32 $0x0, s20;
	[sflag:s22] =	ssyncset.done $0x0  }
0xa1: {  	[sflag:s22] =	ssyncadd.s32 s5;
	_ =	sdelay $0x1  }
0xa2: {  	s23 =	simm.s32 $0x1B8B  }
0xa3: {  	_ =	swait.ge [sflag:s23], $0x1  }
0xa4: {  	[sflag:s23] =	ssyncset.done $0x0  }
0xa5: {  	s25 =	simm.s32 $0x1B8E;
	s24 =	sld [smem:$0x3FFE];
	[sflag:s23] =	ssyncadd.s32 $0xFFFFFFFF  }
0xa6: {  	s26 =	simm.s32 $execute0_lowered;
	[smem:$0x3FD2] =	sst s25  }
0xa7: {  	s6 =	sshll.u32 s26, $0x1;
	_ =	strace $0x80000046;
	[dreg:$0x1] =	wrdreg $0xFFFFFFFF  }
0xa8: {  	s28 =	simm.s32 $_size_execute0_lowered;
	s4 =	sadd.s32 s4, s6;
	[dreg:$0x0] =	wrdreg $0x0  }
0xa9: {  	s6 =	sshll.u32 s28, $0x1;
	[dreg:$0x2] =	wrdreg s4  }
0xaa: {  	[dreg:$0x3] =	wrdreg s6  }
0xab: {  	[dreg:$0x4] =	wrdreg $0xC0  }
0xac: {  	_ =	task [dreg:s8], $0x5FFFF  }
0xad: {  	[dreg:$0x1] =	wrdreg $0xFFFFFFFF  }
0xae: {  	[dreg:$0x0] =	wrdreg $0x60  }
0xaf: {  	[dreg:$0x2] =	wrdreg s2  }
0xb0: {  	[dreg:$0x3] =	wrdreg s24  }
0xb1: {  	[dreg:$0x4] =	wrdreg s18  }
0xb2: {  	[dreg:$0x5] =	wrdreg $0x57000  }
0xb3: {  	[dreg:$0x6] =	wrdreg $0x9  }
0xb4: {  	_ =	task.clear_ibuf [dreg:s8], $0x7FFFF;
	_ =	strace $0x90000046  }
0xb5: {  	s29 =	simm.s32 $0x9;
	_ =	strace $0x80000048  }
0xb6: {  	_ =	swait.ge [sflag:s29], $0x1  }
0xb7: {  	[sflag:s29] =	ssyncadd.s32 $0xFFFFFFFF  }
0xb8: {  	_ =	strace $0x90000048  }
0xb9: {  	_ =	sfence  }
0xba: {  	s30 =	sld [smem:$0x0];
	_ =	sdelay $0x2  }
0xbb: {  	s31 =	sshll.u32 s1, $0xD;
	s1 =	sshrl.u32 s1, $0x2  }
0xbc: {  	s3 =	sand.u32 $0x4000, s31;
	s1 =	sadd.s32 s1, s30  }
0xbd: {  	s0 =	sor.u32 s3, s0;
	s1 =	sshll.u32 s1, $0x11  }
0xbe: {  	s0 =	sor.u32 s1, s0  }
0xbf: {  	s0 =	sadd.s32 $0x8F2B, s0  }
0xc0: {  	[sflag:s0] =	ssyncadd.remote.s32 $0x1  }
0xc1: {  	_ =	sfence.sel $0xFFFF  }
0xc2: {  	[dreg:$0x0] =	wrdreg $0xFFFFFFFF;
	(pc) =	sbr.abs _section_cstart, $3  }
0xc3: {  	[dreg:$0x1] =	wrdreg $0xFFFFFFFF  }
0xc4: {  	_ =	task.clear_ibuf [dreg:s8], $0x2FFFF;
	_ =	strace $0x9FFFFFFF  }
0xc5: {  	(tm) =	ssettm $0x7FFFFFFF  }
tec
execute0_lowered:
.L_overlay_start_1:
0x0: {  	(tag) =	ssettag $0x1  }
0x1: {  	s5 =	rddreg [dreg:$0x0]  }
0x2: {  	s14 =	rddreg [dreg:$0x1]  }
0x3: {  	s0 =	srdreg.scid;
	s9 =	rddreg [dreg:$0x2]  }
0x4: {  	s2 =	rddreg [dreg:$0x3];
	s1 =	stileid.u32;
	s3 =	simm.s32 $0x0  }
0x5: {  	s16 =	simm.s32 $0x4F00;
	s11 =	sand.u32 $0x1, s0;
	s0 =	rddreg [dreg:$0x4]  }
0x6: {  	s21 =	simm.s32 $0x80;
	s22 =	simm.s32 $0x0;
	[smem:$0x7FF] =	sst s3  }
0x7: {  	s7 =	smul.u32 $0x2700, s1;
	p0 =	seq.s32 s1, $0xF;
	s4 =	sshll.u32 s11, $0x4  }
0x8: {  	_ =	strace $0x80000047;
	s10 =	ssub.s32 $0x2, s11;
	p5 =	seq.s32 s11, $0x1  }
0x9: {  	s18 =	sshll.u32 @!p0 s1, $0x6;
	s20 =	sor.u32 s1, s4;
	s4 =	sadd.s32 $0x2600, s14  }
0xa: {  	s31 =	sshrl.u32 s7, $0x3;
	s12 =	sshrl.u32 s10, $0x1;
	s18 =	sor.u32 @!p0 $0x1C02, s18  }
0xb: {  	p3 =	seq.s32 @p5 s1, $0xF;
	p6 =	seq.s32 @!p5 s1, $0xF;
	s6 =	smul.u32 $0x4E, s20  }
0xc: {  	s8 =	smin.u32 s20, $0x4;
	s13 =	sadd.s32 s31, s14;
	s15 =	ssub.s32 s10, s12  }
0xd: {  	s12 =	sadd.s32 $0xC120, s14;
	s14 =	sadd.s32 $0x7120, s14;
	p1 =	sgt.u32 s20, $0x3  }
0xe: {  	s20 =	simm.s32 $0x1;
	p2 =	por !p3, !p5;
	p3 =	por p3, !p5  }
0xf: {  	p4 =	por !p6, p5;
	p5 =	por p6, p5;
	s11 =	sadd.s32 $0x7800, s13  }
0x10: {  	s13 =	sadd.s32 $0x2800, s13;
	s6 =	sadd.s32 s8, s6;
	s8 =	sadd.s32 $0x24900, s2  }
0x11: {  	s15 =	smax.u32 s15, $0x1;
	s6 =	sshll.u32 s6, $0x5;
	s17 =	sshrl.u32 @p0 s8, $0x3  }
0x12: {  	s5 =	sadd.s32 s5, s6;
	s6 =	sadd.s32 s7, s2;
	s7 =	sadd.s32 s9, s31  }
0x13: {  	s9 =	sadd.s32 $0x4920, s9;
	s10 =	sadd.s32 $0x9C0, s5;
	s19 =	sshrl.u32 @!p0 s6, $0x3  }
.LBB2_1:
0x14: {  	[tilespmem:s16], [sflag:$0x1] =	stream.linear.gather [hbm4b:s4+s3], $0x800, $0x38;
	[tilespmem:$0x7E10] =	vst v63  }
0x15: {  	s23 =	simm.s32 @p0 $0x1FC2  }
0x16: {  	[tilespmem:s3], [sflag:$0x1] =	stream.linear.gather [hbm4b:s5+s3], $0x4E00, $0x38;
	[tilespmem:$0x7E10] =	vst v63  }
0x17: {  	[spmem:s17], [sflag:s23] =	dma.local @p0 [hbm:s9], $0x500  }
0x18: {  	s23 =	simm.s32 @p0 $0x2  }
0x19: {  	_ =	swait.ge @p0 [sflag:s23], $0x500  }
0x1a: {  	[sflag:s23] =	ssyncset.done @p0 $0x0  }
0x1b: {  	[sflag:s23] =	ssyncadd.s32 @p0 $0xFFFFFB00;
	s23 =	simm.s32 @!p0 $0x2  }
0x1c: {  	[spmem:s19], [sflag:s18] =	dma.local @!p0 [hbm:s7], $0x4E0  }
0x1d: {  	_ =	swait.ge @!p0 [sflag:s23], $0x4E0  }
0x1e: {  	[sflag:s23] =	ssyncset.done @!p0 $0x0  }
0x1f: {  	[sflag:s23] =	ssyncadd.s32 @!p0 $0xFFFFFB20  }
0x20: {  	_ =	swait.ge [sflag:s20], $0x800  }
0x21: {  	[sflag:s20] =	ssyncset.done $0x0  }
0x22: {  	[sflag:s20] =	ssyncadd.s32 $0xFFFFF800  }
0x23: {  	_ =	swait.ge [sflag:s20], $0x4E00  }
0x24: {  	[sflag:s20] =	ssyncset.done $0x0  }
0x25: {  	s24 =	simm.s32 @!p1 $0x4E00;
	s23 =	simm.s32 @!p1 $0x0;
	[sflag:s20] =	ssyncadd.s32 $0xFFFFB200  }
0x26: {  	[tilespmem:s24], [sflag:$0x2] =	stream.linear.gather @!p1 [hbm4b:s10+s23], $0x100, $0x38;
	[tilespmem:$0x7E10] =	vst v63  }
0x27: {  	s23 =	simm.s32 @!p1 $0x2  }
0x28: {  	_ =	swait.ge @!p1 [sflag:s23], $0x100  }
0x29: {  	[sflag:s23] =	ssyncset.done @!p1 $0x0  }
0x2a: {  	[sflag:s23] =	ssyncadd.s32 @!p1 $0xFFFFFF00  }
0x2b: {  	s24 =	simm.s32 $0x80;
	s23 =	simm.s32 $0x600;
	[bflag:$0x0] =	sbarrier.arrive $0xFFFF  }
.LBB2_2:
0x2c: {  	[spmem:s2] =	stream.indirect.scatter.add.f32 [tilespmem:s16], [sflag:$0x1], $0x10, s24, s21, $0xb8;
	[tilespmem:$0x7E10] =	vst v63  }
0x2d: {  	s24 =	smov.u32 s23;
	p6 =	sne.s32 s23, $0x13600  }
.Ltmp0:
0x2e: {  	s23 =	sadd.s32 $0x400, s23;
	(pc) =	sbr.rel @p6 .LBB2_2-.Ltmp0, $2  }
0x2f: {  	_ =	sdelay $0x2  }
0x30: {  	s24 =	sshra.s32 s24, $0x2  }
0x31: {  	[spmem:s2] =	stream.indirect.scatter.add.f32 [tilespmem:s16], [sflag:$0x1], $0x10, s24, s21, $0xb8;
	[tilespmem:$0x7E10] =	vst v63  }
0x32: {  	s23 =	simm.s32 @!p1 $0x80;
	s24 =	simm.s32 @!p1 $0x4E80;
	s25 =	simm.s32 @!p1 $0x4F00  }
0x33: {  	[spmem:s2] =	stream.indirect.scatter.add.f32 @!p1 [tilespmem:s25], [sflag:$0x1], $0x10, s24, s23, $0xb8;
	[tilespmem:$0x7E10] =	vst v63  }
0x34: {  	_ =	swait.ge [sflag:s20], $0x800  }
0x35: {  	s23 =	simm.s32 $0x4D;
	[sflag:s20] =	ssyncset.done $0x0  }
.LBB2_4:
0x36: {  	p6 =	sne.s32 s23, $0x1;
	s23 =	sadd.s32 $0xFFFFFFFF, s23;
	[sflag:s20] =	ssyncadd.s32 $0xFFFFF800  }
.Ltmp1:
0x37: {  	(pc) =	sbr.rel @p6 .LBB2_4-.Ltmp1, $3  }
0x38: {  	_ =	sdelay $0x1  }
0x39: {  	_ =	swait.ge [sflag:s20], $0x800  }
0x3a: {  	[sflag:s20] =	ssyncset.done $0x0  }
0x3b: {  	[sflag:s20] =	ssyncadd.s32 $0xFFFFF800;
	s23 =	simm.s32 @!p1 $0x1  }
0x3c: {  	_ =	swait.ge @!p1 [sflag:s23], $0x800  }
0x3d: {  	[sflag:s23] =	ssyncset.done @!p1 $0x0  }
0x3e: {  	[sflag:s23] =	ssyncadd.s32 @!p1 $0xFFFFF800  }
0x3f: {  	s24 =	simm.s32 @!p2 $0x1FC2;
	s23 =	sshrl.u32 @!p2 s8, $0x3;
	[bflag:$0x0] =	sbarrier.arrive $0xFFFF  }
0x40: {  	[hbm:s14], [sflag:s24] =	dma.local @!p2 [spmem:s23], $0x500  }
0x41: {  	s23 =	simm.s32 @!p2 $0x2  }
0x42: {  	_ =	swait.ge @!p2 [sflag:s23], $0x500  }
0x43: {  	s24 =	sshll.u32 @!p3 s1, $0x6;
	[sflag:s23] =	ssyncset.done @!p2 $0x0  }
0x44: {  	[sflag:s23] =	ssyncadd.s32 @!p2 $0xFFFFFB00;
	s23 =	sor.u32 @!p3 $0x1C02, s24;
	s24 =	sshrl.u32 @!p3 s6, $0x3  }
0x45: {  	[hbm:s13], [sflag:s23] =	dma.local @!p3 [spmem:s24], $0x4E0  }
0x46: {  	s23 =	simm.s32 @!p3 $0x2  }
0x47: {  	_ =	swait.ge @!p3 [sflag:s23], $0x4E0  }
0x48: {  	[sflag:s23] =	ssyncset.done @!p3 $0x0  }
0x49: {  	s24 =	simm.s32 @!p4 $0x1FC2;
	[sflag:s23] =	ssyncadd.s32 @!p3 $0xFFFFFB20;
	s23 =	sshrl.u32 @!p4 s8, $0x3  }
0x4a: {  	[hbm:s12], [sflag:s24] =	dma.local @!p4 [spmem:s23], $0x500  }
0x4b: {  	s23 =	simm.s32 @!p4 $0x2  }
0x4c: {  	s22 =	sadd.s32 $0x1, s22;
	_ =	swait.ge @!p4 [sflag:s23], $0x500  }
0x4d: {  	p6 =	sne.s32 s22, s15;
	s24 =	sshll.u32 @!p5 s1, $0x6;
	[sflag:s23] =	ssyncset.done @!p4 $0x0  }
0x4e: {  	[sflag:s23] =	ssyncadd.s32 @!p4 $0xFFFFFB00;
	s23 =	sor.u32 @!p5 $0x1C02, s24;
	s24 =	sshrl.u32 @!p5 s6, $0x3  }
0x4f: {  	[hbm:s11], [sflag:s23] =	dma.local @!p5 [spmem:s24], $0x4E0  }
.Ltmp2:
0x50: {  	_ = 	snop;
	(pc) =	sbr.rel @p6 .LBB2_1-.Ltmp2, $4  }
0x51: {  	s23 =	simm.s32 @!p5 $0x2  }
0x52: {  	_ =	swait.ge @!p5 [sflag:s23], $0x4E0  }
0x53: {  	[sflag:s23] =	ssyncset.done @!p5 $0x0  }
0x54: {  	[sflag:s23] =	ssyncadd.s32 @!p5 $0xFFFFFB20  }
0x55: {  	_ =	sfence.sel $0x180000  }
0x56: {  	[bflag:$0x0] =	sbarrier.arrive $0xFFFF  }
0x57: {  	p0 =	sne.s32 s1, $0x0;
	_ =	strace $0x90000047  }
0x58: {  	s0 =	sadd.s32 @!p0 $0x100000, s0;
	[bflag:$0x2] =	sbarrier.arrive $0xFFFF  }
0x59: {  	[sflag:s0] =	ssyncadd.tile.s32 @!p0 $0x1;
	_ =	shalt  }
.Lfunc_end2:
_tile_overlayer_lowered:
.L_overlay_start_2:
0x5a: {  	(tag) =	ssettag $0x2  }
0x5b: {  	s0 =	rddreg [dreg:$0x0];
	s2 =	stileid.u32  }
0x5c: {  	s1 =	rddreg [dreg:$0x1];
	p0 =	sne.s32 s2, $0x0  }
0x5d: {  	s3 =	rddreg [dreg:$0x2];
	[bflag:$0x3] =	sbarrier.arrive $0xFFFF;
	s2 =	simm.s32 @!p0 $0x1C02  }
0x5e: {  	[timem:s3], [sflag:s2] =	dma.local @!p0 [hbm:s0], s1  }
0x5f: {  	s0 =	simm.s32 @!p0 $0x2  }
0x60: {  	_ =	swait.ge @!p0 [sflag:s0], s1  }
0x61: {  	s1 =	ssub.s32 @!p0 $0x0, s1;
	[sflag:s0] =	ssyncset.done @!p0 $0x0  }
0x62: {  	[sflag:s0] =	ssyncadd.s32 @!p0 s1  }
0x63: {  	[bflag:$0x3] =	sbarrier.arrive $0xFFFF  }
0x64: {  	_ =	shalt  }

// kernel: kernel.9.cloned.1.call-start
scs
__scs_entry_jumppad:
0x0: {  	(pc) =	sbr.rel $0x88, $3  }
0x1: {  	(tag) =	ssettag $0x0;
	lr =	simm.s32 $0x1  }
0x2: {  	[smem:$0x3F9D] =	sst lr;
	_ =	strace $0xD0000000  }
0x3: {  	_ = 	snop  }
0x4: {  	_ = 	snop  }
0x5: {  	_ = 	snop  }
0x6: {  	_ = 	snop  }
0x7: {  	_ = 	snop  }
__scs_overlays_trampoline_lowered:
0x8: {  	[smem:$0x3FAC] =	sst s0  }
0x9: {  	[smem:$0x3FAD] =	sst s1  }
0xa: {  	[smem:$0x3FAE] =	sst s2  }
0xb: {  	[smem:$0x3FAF] =	sst s3  }
0xc: {  	[smem:$0x3FB0] =	sst s4  }
0xd: {  	[smem:$0x3FB1] =	sst s5  }
0xe: {  	[smem:$0x3FB2] =	sst s6  }
0xf: {  	[smem:$0x3FB3] =	sst s7  }
0x10: {  	[smem:$0x3FB4] =	sst s8  }
0x11: {  	[smem:$0x3FB5] =	sst s9;
	s0 =	simm.s32 @!p0 $0x0  }
0x12: {  	s1 =	sld [smem:$0x3F9B];
	s0 =	simm.s32 @p0 $0x1  }
0x13: {  	[smem:$0x3FB6] =	sst s0;
	s0 =	simm.s32 @!p1 $0x0  }
0x14: {  	s2 =	sld [smem:$0x3F9A];
	s0 =	simm.s32 @p1 $0x1  }
0x15: {  	[smem:$0x3FB7] =	sst s0;
	s0 =	simm.s32 @!p2 $0x0  }
0x16: {  	s3 =	sld [smem:$0x3FDB];
	s0 =	simm.s32 @p2 $0x1  }
0x17: {  	s4 =	simm.s32 $0x1BF5;
	[smem:$0x3FB9] =	sst s0  }
0x18: {  	s0 =	sld [smem:$0x3F9C];
	_ =	swait.ge [sflag:s4], $0x0  }
0x19: {  	s7 =	sld [smem:$0x3F9D]  }
0x1a: {  	s8 =	sadd.s32 $0xFFFFE003, lr  }
0x1b: {  	s9 =	sadd.s32 $0xFFFFFEF7, lr;
	s5 =	simm.s32 $0xFFFFFFFF;
	p2 =	slt.u32 s8, $0xFFFFF086  }
0x1c: {  	p1 =	slt.u32 s9, $0xF7A;
	s5 =	simm.s32 @!p2 $0x0  }
0x1d: {  	s5 =	simm.s32 @p1 $0x1;
	p0 =	seq.s32 s7, s2  }
0x1e: {  	s7 =	smul.u32 @!p0 $0xF7A, s2;
	p2 =	seq.s32 @!p0 s5, $0x0  }
0x1f: {  	s9 =	smul.u32 $0xF7A, s1;
	s8 =	simm.s32 @!p0 $0x1BF5;
	p2 =	por !p2, p0  }
0x20: {  	[sflag:s8] =	ssyncset.s32 @!p0 $0xFFFFF086;
	s6 =	sadd.s32 @!p0 s3, s7;
	s7 =	simm.s32 @!p0 $0x108  }
0x21: {  	s3 =	sadd.s32 s3, s9;
	s6 =	sadd.s32 @!p0 $0x88, s6;
	s7 =	simm.s32 @p2 $0x1082  }
0x22: {  	[simem:s7], [sflag:s8] =	dma.local @!p0 [hbm:s6], $0xF7A  }
0x23: {  	s9 =	sor.u32 $0xD0000000, s2;
	s6 =	simm.s32 $0x108;
	_ =	swait.ge @!p0 [sflag:s8], $0x0  }
0x24: {  	s3 =	sadd.s32 $0x88, s3;
	s6 =	simm.s32 @!p1 $0x1082;
	[sflag:s4] =	ssyncset.s32 $0xFFFFF086  }
0x25: {  	[simem:s6], [sflag:s4] =	dma.local [hbm:s3], $0xF7A  }
0x26: {  	[smem:$0x3F9D] =	sst s1;
	(tag) =	ssettag s2;
	_ =	strace s9  }
0x27: {  	s1 =	sld [smem:$0x3FAD]  }
0x28: {  	s2 =	sld [smem:$0x3FAE]  }
0x29: {  	s4 =	sld [smem:$0x3FB0]  }
0x2a: {  	p0 =	seq.s32 s5, $0x0;
	s5 =	sld [smem:$0x3FB1]  }
0x2b: {  	s6 =	sld [smem:$0x3FB2]  }
0x2c: {  	s7 =	sld [smem:$0x3FB3]  }
0x2d: {  	s3 =	simm.s32 $0x108;
	s8 =	sld [smem:$0x3FB4]  }
0x2e: {  	s3 =	simm.s32 @!p0 $0x1082;
	s9 =	sld [smem:$0x3FB5]  }
0x2f: {  	lr =	sadd.s32 s0, s3;
	s0 =	sld [smem:$0x3FAC]  }
0x30: {  	s3 =	sld [smem:$0x3FAF]  }
0x31: {  	[smem:$0x3FB8] =	sst s10  }
0x32: {  	s10 =	sld [smem:$0x3FB6];
	_ =	sdelay $0x3  }
0x33: {  	p0 =	seq.s32 s10, $0x1;
	s10 =	sld [smem:$0x3FB8];
	_ =	sdelay $0x3  }
0x34: {  	[smem:$0x3FB8] =	sst s10  }
0x35: {  	s10 =	sld [smem:$0x3FB7];
	_ =	sdelay $0x3  }
0x36: {  	p1 =	seq.s32 s10, $0x1;
	s10 =	sld [smem:$0x3FB8];
	_ =	sdelay $0x3  }
0x37: {  	[smem:$0x3FB8] =	sst s10  }
0x38: {  	s10 =	sld [smem:$0x3FB9]  }
0x39: {  	_ = 	snop;
	(pc) =	sbr.ind lr, $3  }
0x3a: {  	_ = 	snop  }
0x3b: {  	_ = 	snop  }
0x3c: {  	p2 =	seq.s32 s10, $0x1;
	s10 =	sld [smem:$0x3FB8]  }
0x3d: {  	_ =	shalt  }
0x3e: {  	_ =	shalt  }
0x3f: {  	_ =	shalt  }
0x40: {  	_ =	shalt  }
0x41: {  	_ =	shalt  }
0x42: {  	_ =	shalt  }
0x43: {  	_ =	shalt  }
0x44: {  	_ =	shalt  }
0x45: {  	_ =	shalt  }
0x46: {  	_ =	shalt  }
0x47: {  	_ =	shalt  }
0x48: {  	_ =	shalt  }
0x49: {  	_ =	shalt  }
0x4a: {  	_ =	shalt  }
0x4b: {  	_ =	shalt  }
0x4c: {  	_ =	shalt  }
0x4d: {  	_ =	shalt  }
0x4e: {  	_ =	shalt  }
0x4f: {  	_ =	shalt  }
0x50: {  	_ =	shalt  }
0x51: {  	_ =	shalt  }
0x52: {  	_ =	shalt  }
0x53: {  	_ =	shalt  }
0x54: {  	_ =	shalt  }
0x55: {  	_ =	shalt  }
0x56: {  	_ =	shalt  }
0x57: {  	_ =	shalt  }
0x58: {  	_ =	shalt  }
0x59: {  	_ =	shalt  }
0x5a: {  	_ =	shalt  }
0x5b: {  	_ =	shalt  }
0x5c: {  	_ =	shalt  }
0x5d: {  	_ =	shalt  }
0x5e: {  	_ =	shalt  }
0x5f: {  	_ =	shalt  }
0x60: {  	_ =	shalt  }
0x61: {  	_ =	shalt  }
0x62: {  	_ =	shalt  }
0x63: {  	_ =	shalt  }
0x64: {  	_ =	shalt  }
0x65: {  	_ =	shalt  }
0x66: {  	_ =	shalt  }
0x67: {  	_ =	shalt  }
0x68: {  	_ =	shalt  }
0x69: {  	_ =	shalt  }
0x6a: {  	_ =	shalt  }
0x6b: {  	_ =	shalt  }
0x6c: {  	_ =	shalt  }
0x6d: {  	_ =	shalt  }
0x6e: {  	_ =	shalt  }
0x6f: {  	_ =	shalt  }
0x70: {  	_ =	shalt  }
0x71: {  	_ =	shalt  }
0x72: {  	_ =	shalt  }
0x73: {  	_ =	shalt  }
0x74: {  	_ =	shalt  }
0x75: {  	_ =	shalt  }
0x76: {  	_ =	shalt  }
0x77: {  	_ =	shalt  }
0x78: {  	_ =	shalt  }
0x79: {  	_ =	shalt  }
0x7a: {  	_ =	shalt  }
0x7b: {  	_ =	shalt  }
0x7c: {  	_ =	shalt  }
0x7d: {  	_ =	shalt  }
0x7e: {  	_ =	shalt  }
0x7f: {  	_ =	shalt  }
0x80: {  	_ =	shalt  }
0x81: {  	_ =	shalt  }
0x82: {  	_ =	shalt  }
0x83: {  	_ =	shalt  }
0x84: {  	_ =	shalt  }
0x85: {  	_ =	shalt  }
0x86: {  	_ =	shalt  }
0x87: {  	_ =	shalt  }
.Lfunc_end0:
.L_simem_size_0:
called_computation.1_lowered:
.L_overlay_start_0:
0x88: {  	s2 =	sld [smem:$0x3FD9]  }
0x89: {  	s3 =	sld [smem:$0x3FFE];
	_ =	sdelay $0x1  }
0x8a: {  	s1 =	srdreg.scid  }
0x8b: {  	s0 =	sand.u32 $0x1, s1  }
0x8c: {  	s17 =	sshll.u32 s0, $0xA;
	s2 =	sadd.s32 s3, s2  }
0x8d: {  	s2 =	sadd.s32 s2, s17  }
0x8e: {  	[smem:$0x3FC4] =	sst s2  }
0x8f: {  	_ = 	snop  }
0x90: {  	s2 =	sld [smem:$0x3FC8]  }
0x91: {  	s18 =	sld [smem:$0x3FD0];
	(tm) =	ssettm $0x1  }
0x92: {  	s4 =	sld [smem:$0x3FFB];
	_ =	sdelay $0x3  }
0x93: {  	_ =	strace s4  }
0x94: {  	s4 =	sld [smem:$0x3FFC];
	_ =	sdelay $0x3  }
0x95: {  	_ =	strace s4  }
0x96: {  	s4 =	sld [smem:$0x3FFD];
	_ =	sdelay $0x3  }
0x97: {  	_ =	strace s4  }
0x98: {  	_ =	strace $0x8FFFFFFF  }
0x99: {  	s19 =	sld [smem:$0x3FDB];
	_ =	sdelay $0x1  }
0x9a: {  	s5 =	simm.s32 $_scs_section_size  }
0x9b: {  	s6 =	simm.s32 $_size__tile_overlayer_lowered;
	s7 =	simm.s32 $_tile_overlayer_lowered  }
0x9c: {  	s22 =	simm.s32 $0x1BFF;
	s21 =	sshll.u32 s7, $0x1;
	s4 =	sadd.s32 s5, s19  }
0x9d: {  	s8 =	simm.s32 $0x0;
	s20 =	sshll.u32 s6, $0x1;
	s6 =	sadd.s32 s21, s4  }
0x9e: {  	[timem:s8], [sflag:s22] =	dma.local [hbm:s6], s20  }
0x9f: {  	_ =	swait.ge [sflag:s22], s20  }
0xa0: {  	s5 =	ssub.s32 $0x0, s20;
	[sflag:s22] =	ssyncset.done $0x0  }
0xa1: {  	[sflag:s22] =	ssyncadd.s32 s5;
	_ =	sdelay $0x1  }
0xa2: {  	s23 =	simm.s32 $0x1B8B  }
0xa3: {  	_ =	swait.ge [sflag:s23], $0x1  }
0xa4: {  	[sflag:s23] =	ssyncset.done $0x0  }
0xa5: {  	s25 =	simm.s32 $0x1B8E;
	s24 =	sld [smem:$0x3FFE];
	[sflag:s23] =	ssyncadd.s32 $0xFFFFFFFF  }
0xa6: {  	s26 =	simm.s32 $execute0_lowered;
	[smem:$0x3FD2] =	sst s25  }
0xa7: {  	s6 =	sshll.u32 s26, $0x1;
	_ =	strace $0x80000049;
	[dreg:$0x1] =	wrdreg $0xFFFFFFFF  }
0xa8: {  	s28 =	simm.s32 $_size_execute0_lowered;
	s4 =	sadd.s32 s4, s6;
	[dreg:$0x0] =	wrdreg $0x0  }
0xa9: {  	s6 =	sshll.u32 s28, $0x1;
	[dreg:$0x2] =	wrdreg s4  }
0xaa: {  	[dreg:$0x3] =	wrdreg s6  }
0xab: {  	[dreg:$0x4] =	wrdreg $0xC0  }
0xac: {  	_ =	task [dreg:s8], $0x5FFFF  }
0xad: {  	[dreg:$0x1] =	wrdreg $0xFFFFFFFF  }
0xae: {  	[dreg:$0x0] =	wrdreg $0x60  }
0xaf: {  	[dreg:$0x2] =	wrdreg s18  }
0xb0: {  	[dreg:$0x3] =	wrdreg s2  }
0xb1: {  	[dreg:$0x4] =	wrdreg s24  }
0xb2: {  	[dreg:$0x5] =	wrdreg $0x84000  }
0xb3: {  	[dreg:$0x6] =	wrdreg $0x9  }
0xb4: {  	_ =	task.clear_ibuf [dreg:s8], $0x7FFFF;
	_ =	strace $0x90000049  }
0xb5: {  	s29 =	simm.s32 $0x9;
	_ =	strace $0x8000004B  }
0xb6: {  	_ =	swait.ge [sflag:s29], $0x1  }
0xb7: {  	[sflag:s29] =	ssyncadd.s32 $0xFFFFFFFF  }
0xb8: {  	_ =	strace $0x9000004B  }
0xb9: {  	_ =	sfence  }
0xba: {  	s30 =	sld [smem:$0x0];
	_ =	sdelay $0x2  }
0xbb: {  	s31 =	sshll.u32 s1, $0xD;
	s1 =	sshrl.u32 s1, $0x2  }
0xbc: {  	s3 =	sand.u32 $0x4000, s31;
	s1 =	sadd.s32 s1, s30  }
0xbd: {  	s0 =	sor.u32 s3, s0;
	s1 =	sshll.u32 s1, $0x11  }
0xbe: {  	s0 =	sor.u32 s1, s0  }
0xbf: {  	s0 =	sadd.s32 $0x8F2B, s0  }
0xc0: {  	[sflag:s0] =	ssyncadd.remote.s32 $0x1  }
0xc1: {  	_ =	sfence.sel $0xFFFF  }
0xc2: {  	[dreg:$0x0] =	wrdreg $0xFFFFFFFF;
	(pc) =	sbr.abs _section_cstart, $3  }
0xc3: {  	[dreg:$0x1] =	wrdreg $0xFFFFFFFF  }
0xc4: {  	_ =	task.clear_ibuf [dreg:s8], $0x2FFFF;
	_ =	strace $0x9FFFFFFF  }
0xc5: {  	(tm) =	ssettm $0x7FFFFFFF  }
tec
execute0_lowered:
.L_overlay_start_1:
0x0: {  	(tag) =	ssettag $0x1  }
0x1: {  	s1 =	rddreg [dreg:$0x0]  }
0x2: {  	s0 =	rddreg [dreg:$0x1]  }
0x3: {  	s7 =	rddreg [dreg:$0x2]  }
0x4: {  	s3 =	rddreg [dreg:$0x3]  }
0x5: {  	s5 =	srdreg.scid;
	s4 =	simm.s32 $0x0;
	s2 =	stileid.u32  }
0x6: {  	s29 =	simm.s32 $0x2;
	s30 =	simm.s32 $0x80;
	s31 =	simm.s32 $0x400  }
0x7: {  	s9 =	sand.u32 $0x1, s5;
	[smem:$0x7FF] =	sst s4;
	s10 =	smul.u32 $0x13800, s2  }
0x8: {  	s17 =	smul.u32 $0x4E000, s2;
	s23 =	sadd.s32 $0x138000, s3;
	s26 =	sadd.s32 $0x24900, s1  }
0x9: {  	p1 =	seq.s32 s2, $0xF;
	_ =	strace $0x8000004A;
	[dreg:$0xc] =	wrdreg s23  }
0xa: {  	s5 =	sshll.u32 s9, $0x4;
	s6 =	ssub.s32 $0x2, s9;
	[dreg:$0xe] =	wrdreg s26  }
0xb: {  	p6 =	sne.s32 s9, $0x0;
	s5 =	sor.u32 s2, s5;
	s11 =	sshrl.u32 s10, $0x3  }
0xc: {  	s13 =	sshrl.u32 s6, $0x1;
	s15 =	sshrl.u32 s17, $0x2;
	s17 =	sadd.s32 $0x124800, s3  }
0xd: {  	p5 =	seq.s32 @!p6 s2, $0xF;
	s8 =	smul.u32 $0x4E, s5;
	s12 =	sadd.s32 s11, s7  }
0xe: {  	s14 =	smin.u32 s5, $0x4;
	s13 =	ssub.s32 s6, s13;
	p0 =	slt.u32 s5, $0x4  }
0xf: {  	s5 =	simm.s32 $0x4F;
	s20 =	sadd.s32 s15, s3;
	s25 =	sadd.s32 s1, s11  }
0x10: {  	p4 =	por !p5, p6;
	p5 =	por p5, p6;
	s11 =	simm.s32 $0x0  }
0x11: {  	s5 =	simm.s32 @!p0 $0x4E;
	s15 =	sadd.s32 $0x4000, s20;
	s21 =	sadd.s32 $0x8000, s20  }
0x12: {  	s22 =	sadd.s32 $0xC000, s20;
	[dreg:$0x7] =	wrdreg s20;
	s16 =	sadd.s32 s14, s8  }
0x13: {  	[dreg:$0xd] =	wrdreg s25;
	s28 =	sadd.s32 $0x29800, s12;
	s6 =	sshll.u32 s16, $0x5  }
0x14: {  	s23 =	smax.u32 s13, $0x1;
	[dreg:$0x8] =	wrdreg s15;
	s6 =	sadd.s32 s0, s6  }
0x15: {  	[dreg:$0x9] =	wrdreg s21;
	s16 =	smul.u32 $0x4E0, s9;
	s18 =	sadd.s32 $0x20, s6  }
0x16: {  	p0 =	seq.s32 @p6 s2, $0xF;
	[dreg:$0x5] =	wrdreg s18;
	s18 =	smul.u32 $0x4E, s2  }
0x17: {  	[dreg:$0xa] =	wrdreg s22;
	s8 =	sadd.s32 $0x10000, s20;
	s24 =	sor.u32 s16, s14  }
0x18: {  	s15 =	sadd.s32 s10, s3;
	[dreg:$0xf] =	wrdreg s28;
	s10 =	sadd.s32 s18, s24  }
0x19: {  	s20 =	sadd.s32 $0x4E100, s7;
	s21 =	sadd.s32 $0x2600, s12;
	s10 =	sshll.u32 s10, $0x5  }
0x1a: {  	s22 =	sadd.s32 $0x26F00, s7;
	p2 =	por !p0, !p6;
	s0 =	sadd.s32 s10, s0  }
0x1b: {  	p3 =	por p0, !p6;
	s16 =	sadd.s32 $0x60, s0;
	s0 =	simm.s32 @!p6 $0x0  }
0x1c: {  	p0 =	sne.s32 s2, $0xF;
	[dreg:$0xb] =	wrdreg s8;
	s0 =	simm.s32 @p6 $0x1  }
0x1d: {  	s19 =	sadd.s32 $0x40, s6;
	[smem:$0x7FC] =	sst s0;
	s0 =	simm.s32 @!p0 $0x0  }
0x1e: {  	[dreg:$0x6] =	wrdreg s19;
	s24 =	sadd.s32 $0xFFFFFFFF, s5;
	s0 =	simm.s32 @p0 $0x1  }
0x1f: {  	v0 =	vimm.f32 $0.0e+00;
	s10 =	simm.s32 $0x3;
	[smem:$0x7FD] =	sst s0;
	s0 =	simm.s32 $0x1  }
.LBB2_1:
0x20: {  	s28 =	sld [smem:$0x7FC];
	_ =	sdelay $0x1  }
0x21: {  	[tilespmem:s4], [sflag:$0x2] =	stream.linear.gather [hbm4b:s6+s4], $0x100, $0x38;
	[tilespmem:$0x1BC80] =	vst v63  }
0x22: {  	p0 =	seq.s32 s28, $0x1  }
.Ltmp0:
0x23: {  	_ = 	snop;
	(pc) =	sbr.rel @p0 .LBB2_3-.Ltmp0, $4  }
0x24: {  	s7 =	rddreg [dreg:$0x5];
	s8 =	simm.s32 $0x100  }
0x25: {  	[tilespmem:s8], [sflag:$0x2] =	stream.linear.gather [hbm4b:s7+s4], $0x100, $0x38;
	[tilespmem:$0x1BC80] =	vst v63  }
0x26: {  	s25 =	rddreg [dreg:$0x6];
	s26 =	simm.s32 $0x200  }
0x27: {  	[tilespmem:s26], [sflag:$0x2] =	stream.linear.gather [hbm4b:s25+s4], $0x100, $0x38;
	[tilespmem:$0x1BC80] =	vst v63  }
0x28: {  	s7 =	sshrl.u32 @p1 s17, $0x3;
	s9 =	simm.s32 @p1 $0x1FC3;
	s8 =	rddreg [dreg:$0xe]  }
0x29: {  	[spmem:s7], [sflag:s9] =	dma.local @p1 [hbm:s8], $0x2800  }
0x2a: {  	s7 =	simm.s32 @p1 $0x3  }
0x2b: {  	_ =	swait.ge @p1 [sflag:s7], $0x2800  }
0x2c: {  	s9 =	sshll.u32 @!p1 s2, $0x6;
	[sflag:s7] =	ssyncset.done @p1 $0x0;
	s8 =	rddreg [dreg:$0xd]  }
0x2d: {  	[sflag:s7] =	ssyncadd.s32 @p1 $0xFFFFD800;
	s7 =	sor.u32 @!p1 $0x1C03, s9;
	s9 =	sshrl.u32 @!p1 s15, $0x3  }
0x2e: {  	[spmem:s9], [sflag:s7] =	dma.local @!p1 [hbm:s8], $0x2700  }
.Ltmp1:
0x2f: {  	_ = 	snop;
	(pc) =	sbr.rel .LBB2_6-.Ltmp1, $4  }
0x30: {  	s7 =	simm.s32 @!p1 $0x3  }
0x31: {  	_ =	swait.ge @!p1 [sflag:s7], $0x2700  }
0x32: {  	[sflag:s7] =	ssyncset.done @!p1 $0x0  }
0x33: {  	[sflag:s7] =	ssyncadd.s32 @!p1 $0xFFFFD900  }
.LBB2_3:
0x34: {  	s9 =	sshra.s32 s4, $0x2;
	s12 =	sadd.s32 $0x200, s4  }
.LBB2_4:
0x35: {  	p0 =	sne.s32 s12, $0xFE00;
	[tilespmem:s9+$0x470] =	vst v0  }
0x36: {  	[tilespmem:s9+$0x400] =	vst v0  }
0x37: {  	[tilespmem:s9+$0x410] =	vst v0  }
.Ltmp2:
0x38: {  	[tilespmem:s9+$0x420] =	vst v0;
	(pc) =	sbr.rel @p0 .LBB2_4-.Ltmp2, $4  }
0x39: {  	[tilespmem:s9+$0x430] =	vst v0  }
0x3a: {  	[tilespmem:s9+$0x440] =	vst v0  }
0x3b: {  	[tilespmem:s9+$0x450] =	vst v0  }
0x3c: {  	[tilespmem:s9+$0x460] =	vst v0;
	s9 =	sshra.s32 s12, $0x2;
	s12 =	sadd.s32 $0x200, s12  }
0x3d: {  	[tilespmem:s9+$0x470] =	vst v0  }
0x3e: {  	[tilespmem:s9+$0x400] =	vst v0  }
0x3f: {  	[tilespmem:s9+$0x410] =	vst v0  }
0x40: {  	[tilespmem:s9+$0x420] =	vst v0  }
0x41: {  	[tilespmem:s9+$0x430] =	vst v0  }
0x42: {  	[tilespmem:s9+$0x440] =	vst v0  }
0x43: {  	[tilespmem:s9+$0x450] =	vst v0  }
0x44: {  	[tilespmem:s9+$0x460] =	vst v0;
	s7 =	rddreg [dreg:$0x7]  }
0x45: {  	[spmem:s7] =	stream.linear.scatter [tilespmem:s31], [sflag:$0x3], $0x4000, $0x38;
	[tilespmem:$0x1BC80] =	vst v63  }
0x46: {  	_ =	swait.ge [sflag:s10], $0x4000  }
0x47: {  	[sflag:s10] =	ssyncset.done $0x0  }
0x48: {  	s18 =	rddreg [dreg:$0x8];
	[sflag:s10] =	ssyncadd.s32 $0xFFFFC000  }
0x49: {  	[spmem:s18] =	stream.linear.scatter [tilespmem:s31], [sflag:$0x3], $0x4000, $0x38;
	[tilespmem:$0x1BC80] =	vst v63  }
0x4a: {  	_ =	swait.ge [sflag:s10], $0x4000  }
0x4b: {  	[sflag:s10] =	ssyncset.done $0x0  }
0x4c: {  	s19 =	rddreg [dreg:$0x9];
	[sflag:s10] =	ssyncadd.s32 $0xFFFFC000  }
0x4d: {  	[spmem:s19] =	stream.linear.scatter [tilespmem:s31], [sflag:$0x3], $0x4000, $0x38;
	[tilespmem:$0x1BC80] =	vst v63  }
0x4e: {  	_ =	swait.ge [sflag:s10], $0x4000  }
0x4f: {  	[sflag:s10] =	ssyncset.done $0x0  }
0x50: {  	s25 =	rddreg [dreg:$0xa];
	[sflag:s10] =	ssyncadd.s32 $0xFFFFC000  }
0x51: {  	[spmem:s25] =	stream.linear.scatter [tilespmem:s31], [sflag:$0x3], $0x4000, $0x38;
	[tilespmem:$0x1BC80] =	vst v63  }
0x52: {  	_ =	swait.ge [sflag:s10], $0x4000  }
0x53: {  	[sflag:s10] =	ssyncset.done $0x0  }
0x54: {  	s26 =	rddreg [dreg:$0xb];
	[sflag:s10] =	ssyncadd.s32 $0xFFFFC000  }
0x55: {  	[spmem:s26] =	stream.linear.scatter [tilespmem:s31], [sflag:$0x3], $0x3800, $0x38;
	[tilespmem:$0x1BC80] =	vst v63  }
0x56: {  	_ =	swait.ge [sflag:s10], $0x3800  }
0x57: {  	s28 =	sld [smem:$0x7FD];
	_ =	sdelay $0x2  }
0x58: {  	[sflag:s10] =	ssyncset.done $0x0;
	p0 =	seq.s32 s28, $0x1  }
0x59: {  	s8 =	rddreg [dreg:$0xc];
	[sflag:s10] =	ssyncadd.s32 $0xFFFFC800;
	s7 =	simm.s32 @!p0 $0x400  }
0x5a: {  	[spmem:s8] =	stream.linear.scatter @!p0 [tilespmem:s7], [sflag:$0x3], $0x800, $0x38;
	[tilespmem:$0x1BC80] =	vst v63  }
0x5b: {  	s7 =	simm.s32 @!p0 $0x3  }
0x5c: {  	_ =	swait.ge @!p0 [sflag:s7], $0x800  }
0x5d: {  	[sflag:s7] =	ssyncset.done @!p0 $0x0  }
0x5e: {  	[sflag:s7] =	ssyncadd.s32 @!p0 $0xFFFFF800  }
.LBB2_6:
0x5f: {  	_ =	swait.ge [sflag:s29], $0x100;
	p6 =	sne.s32 s24, $0x1  }
.Ltmp3:
0x60: {  	[sflag:s29] =	ssyncset.done $0x0;
	(pc) =	sbr.rel @!p6 .LBB2_7-.Ltmp3, $4  }
0x61: {  	s7 =	simm.s32 $0x0;
	[sflag:s29] =	ssyncadd.s32 $0xFFFFFF00  }
0x62: {  	[tilespmem:s31], [sflag:$0x1] =	stream.indirect.gather [hbm4b:s1+s30], $0x80, s7, s30, $0xb8;
	[tilespmem:$0x1BC80] =	vst v63  }
0x63: {  	s14 =	simm.s32 $0x1;
	[bflag:$0x0] =	sbarrier.arrive $0xFFFF  }
0x64: {  	s9 =	simm.s32 $0x3;
	p0 =	por $0x0, $0x0;
	s28 =	sand.u32 $0x300, s7  }
0x65: {  	s7 =	sand.u32 $0x1, s7;
	s12 =	simm.s32 $0x100  }
0x66: {  	_ =	swait.ge [sflag:s29], $0x100;
	p0 =	sle.u32 s5, $0x3;
	s7 =	sshll.u32 s7, $0xE  }
0x67: {  	s18 =	sand.u32 $0x300, s12;
	[sflag:s29] =	ssyncset.done $0x0;
	s9 =	sxor.u32 $0x4000, s7  }
0x68: {  	s13 =	simm.s32 @!p0 $0x300;
	[sflag:s29] =	ssyncadd.s32 $0xFFFFFF00;
	s9 =	sor.u32 $0x400, s9  }
0x69: {  	[tilespmem:s9], [sflag:$0x1] =	stream.indirect.gather [hbm4b:s1+s30], $0x80, s18, s30, $0xb8;
	[tilespmem:$0x1BC80] =	vst v63  }
0x6a: {  	s9 =	sand.u32 @!p0 $0x300, s13;
	s13 =	simm.s32 @!p0 $0x0  }
0x6b: {  	[tilespmem:s9], [sflag:$0x2] =	stream.linear.gather @!p0 [hbm4b:s16+s13], $0x100, $0x38;
	[tilespmem:$0x1BC80] =	vst v63  }
0x6c: {  	s26 =	sor.u32 $0x80, s28;
	p6 =	sne.s32 s24, $0x2;
	_ =	swait.ge [sflag:s0], $0x4000  }
.Ltmp4:
0x6d: {  	s28 =	simm.s32 $0x2;
	[sflag:s0] =	ssyncset.done $0x0;
	(pc) =	sbr.rel @!p6 .LBB2_9-.Ltmp4, $4  }
0x6e: {  	s25 =	sadd.s32 $0x20, s16;
	s7 =	sor.u32 $0x400, s7;
	[sflag:s0] =	ssyncadd.s32 $0xFFFFC000  }
0x6f: {  	[spmem:s3] =	stream.indirect.scatter.add.f32 [tilespmem:s7], [sflag:$0x3], $0x80, s26, s30, $0xb8;
	[tilespmem:$0x1BC80] =	vst v63  }
0x70: {  	s13 =	simm.s32 $0x10000;
	s9 =	simm.s32 $0x4;
	_ =	swait.ge [sflag:s10], $0x4000  }
0x71: {  	p0 =	por $0x1, $0x1;
	s26 =	simm.s32 $0x100;
	[sflag:s10] =	ssyncset.done $0x0  }
.LBB2_10:
0x72: {  	s7 =	sand.u32 $0x1, s14  }
0x73: {  	s12 =	sadd.s32 $0x100, s12;
	[sflag:s10] =	ssyncadd.s32 $0xFFFFC000;
	s14 =	smov.u32 s28  }
0x74: {  	_ =	swait.ge [sflag:s29], $0x100;
	s7 =	sshll.u32 s7, $0xE;
	s8 =	sand.u32 $0x300, s12  }
0x75: {  	p6 =	sge.u32 s9, s5;
	[sflag:s29] =	ssyncset.done $0x0;
	s19 =	sxor.u32 $0x4000, s7  }
0x76: {  	[sflag:s29] =	ssyncadd.s32 $0xFFFFFF00;
	s9 =	sor.u32 $0x400, s19;
	s19 =	sadd.s32 @!p6 $0x300, s26  }
0x77: {  	[tilespmem:s9], [sflag:$0x1] =	stream.indirect.gather [hbm4b:s1+s30], $0x80, s8, s30, $0xb8;
	[tilespmem:$0x1BC80] =	vst v63  }
0x78: {  	s28 =	sadd.s32 $0x1, s28;
	s9 =	sand.u32 @!p6 $0x300, s19;
	s19 =	simm.s32 @!p6 $0x0  }
0x79: {  	[tilespmem:s9], [sflag:$0x2] =	stream.linear.gather @!p6 [hbm4b:s25+s19], $0x100, $0x38;
	[tilespmem:$0x1BC80] =	vst v63  }
0x7a: {  	s26 =	smov.u32 s12;
	p6 =	sne.s32 s24, s28;
	_ =	swait.ge [sflag:s0], $0x4000  }
.Ltmp5:
0x7b: {  	[sflag:s0] =	ssyncset.done $0x0;
	(pc) =	sbr.rel @p6 .LBB2_10-.Ltmp5, $4  }
0x7c: {  	s7 =	sor.u32 $0x400, s7;
	s9 =	sor.u32 $0x80, s18;
	[sflag:s0] =	ssyncadd.s32 $0xFFFFC000  }
0x7d: {  	[spmem:s3] =	stream.indirect.scatter.add.f32 [tilespmem:s7], [sflag:$0x3], $0x80, s9, s30, $0xb8;
	[tilespmem:$0x1BC80] =	vst v63  }
0x7e: {  	s13 =	sadd.s32 $0x10000, s13;
	s18 =	smov.u32 s8;
	_ =	swait.ge [sflag:s10], $0x4000  }
0x7f: {  	s25 =	sadd.s32 $0x20, s25;
	s9 =	sadd.s32 $0x3, s14;
	[sflag:s10] =	ssyncset.done $0x0  }
0x80: {  	s7 =	smov.u32 s14;
	s28 =	smov.u32 s18  }
.LBB2_12:
0x81: {  	s7 =	sand.u32 $0x1, s7;
	s8 =	sadd.s32 $0x100, s12;
	[sflag:s10] =	ssyncadd.s32 @p0 $0xFFFFC000  }
0x82: {  	p0 =	sge.u32 s9, s5;
	_ =	swait.ge [sflag:s29], $0x100;
	s7 =	sshll.u32 s7, $0xE  }
0x83: {  	s8 =	sand.u32 $0x300, s8;
	[sflag:s29] =	ssyncset.done $0x0;
	s18 =	sxor.u32 $0x4000, s7  }
0x84: {  	s12 =	sadd.s32 @!p0 $0x300, s26;
	[sflag:s29] =	ssyncadd.s32 $0xFFFFFF00;
	s19 =	sor.u32 $0x400, s18  }
0x85: {  	[tilespmem:s19], [sflag:$0x1] =	stream.indirect.gather [hbm4b:s1+s30], $0x80, s8, s30, $0xb8;
	[tilespmem:$0x1BC80] =	vst v63  }
0x86: {  	s9 =	sand.u32 @!p0 $0x300, s12;
	s12 =	simm.s32 @!p0 $0x0  }
0x87: {  	[tilespmem:s9], [sflag:$0x2] =	stream.linear.gather @!p0 [hbm4b:s25+s12], $0x100, $0x38;
	[tilespmem:$0x1BC80] =	vst v63  }
0x88: {  	_ =	swait.ge [sflag:s0], $0x4000  }
0x89: {  	[sflag:s0] =	ssyncset.done $0x0  }
0x8a: {  	s26 =	sor.u32 $0x80, s28;
	s7 =	sor.u32 $0x400, s7;
	[sflag:s0] =	ssyncadd.s32 $0xFFFFC000  }
0x8b: {  	[spmem:s3] =	stream.indirect.scatter.add.f32 [tilespmem:s7], [sflag:$0x3], $0x80, s26, s30, $0xb8;
	[tilespmem:$0x1BC80] =	vst v63  }
0x8c: {  	_ =	swait.ge [sflag:s10], $0x4000  }
0x8d: {  	[sflag:s10] =	ssyncset.done $0x0  }
0x8e: {  	s28 =	sadd.s32 $0x10000, s13;
	[sflag:s10] =	ssyncadd.s32 $0xFFFFC000  }
0x8f: {  	s7 =	sand.u32 $0x10000, s28;
	_ =	swait.ge [sflag:s0], $0x4000  }
0x90: {  	s7 =	sshrl.u32 s7, $0x2;
	[sflag:s0] =	ssyncset.done $0x0  }
0x91: {  	s8 =	sadd.s32 $0x80, s8;
	s7 =	sor.u32 $0x400, s7;
	[sflag:s0] =	ssyncadd.s32 $0xFFFFC000  }
0x92: {  	[spmem:s3] =	stream.indirect.scatter.add.f32 [tilespmem:s7], [sflag:$0x3], $0x80, s8, s30, $0xb8;
	[tilespmem:$0x1BC80] =	vst v63  }
0x93: {  	_ =	swait.ge [sflag:s10], $0x4000  }
0x94: {  	[sflag:s10] =	ssyncset.done $0x0  }
0x95: {  	[sflag:s10] =	ssyncadd.s32 $0xFFFFC000  }
0x96: {  	s7 =	sshrl.u32 @!p2 s17, $0x3;
	s8 =	simm.s32 @!p2 $0x1FC3;
	[bflag:$0x0] =	sbarrier.arrive $0xFFFF  }
0x97: {  	[hbm:s20], [sflag:s8] =	dma.local @!p2 [spmem:s7], $0x2800  }
0x98: {  	s7 =	simm.s32 @!p2 $0x3  }
0x99: {  	_ =	swait.ge @!p2 [sflag:s7], $0x2800  }
0x9a: {  	s8 =	sshll.u32 @!p3 s2, $0x6;
	[sflag:s7] =	ssyncset.done @!p2 $0x0;
	s9 =	rddreg [dreg:$0xf]  }
0x9b: {  	[sflag:s7] =	ssyncadd.s32 @!p2 $0xFFFFD800;
	s7 =	sor.u32 @!p3 $0x1C03, s8;
	s8 =	sshrl.u32 @!p3 s15, $0x3  }
0x9c: {  	[hbm:s9], [sflag:s7] =	dma.local @!p3 [spmem:s8], $0x2700  }
0x9d: {  	s7 =	simm.s32 @!p3 $0x3  }
0x9e: {  	_ =	swait.ge @!p3 [sflag:s7], $0x2700  }
0x9f: {  	[sflag:s7] =	ssyncset.done @!p3 $0x0  }
0xa0: {  	s8 =	simm.s32 @!p4 $0x1FC3;
	[sflag:s7] =	ssyncadd.s32 @!p3 $0xFFFFD900;
	s7 =	sshrl.u32 @!p4 s17, $0x3  }
0xa1: {  	[hbm:s22], [sflag:s8] =	dma.local @!p4 [spmem:s7], $0x2800  }
0xa2: {  	s7 =	simm.s32 @!p4 $0x3  }
0xa3: {  	s11 =	sadd.s32 $0x1, s11;
	_ =	swait.ge @!p4 [sflag:s7], $0x2800  }
0xa4: {  	p0 =	sne.s32 s11, s23;
	s8 =	sshll.u32 @!p5 s2, $0x6;
	[sflag:s7] =	ssyncset.done @!p4 $0x0  }
0xa5: {  	[sflag:s7] =	ssyncadd.s32 @!p4 $0xFFFFD800;
	s7 =	sor.u32 @!p5 $0x1C03, s8;
	s8 =	sshrl.u32 @!p5 s15, $0x3  }
0xa6: {  	[hbm:s21], [sflag:s7] =	dma.local @!p5 [spmem:s8], $0x2700  }
.Ltmp6:
0xa7: {  	_ = 	snop;
	(pc) =	sbr.rel @p0 .LBB2_1-.Ltmp6, $4  }
.Ltmp7:
0xa8: {  	s7 =	simm.s32 @!p5 $0x3;
	(pc) =	sbr.rel @!p0 .LBB2_13-.Ltmp7, $4  }
0xa9: {  	_ =	swait.ge @!p5 [sflag:s7], $0x2700  }
0xaa: {  	[sflag:s7] =	ssyncset.done @!p5 $0x0  }
0xab: {  	[sflag:s7] =	ssyncadd.s32 @!p5 $0xFFFFD900  }
0xac: {  	_ = 	snop  }
.LBB2_7:
.Ltmp8:
0xad: {  	(pc) =	sbr.rel .LBB2_12-.Ltmp8, $3  }
0xae: {  	_ =	sdelay $0x1  }
0xaf: {  	s12 =	simm.s32 $0x0  }
0xb0: {  	s26 =	simm.s32 $0x0;
	s25 =	smov.u32 s16;
	s13 =	simm.s32 $0x0  }
.LBB2_9:
.Ltmp9:
0xb1: {  	(pc) =	sbr.rel .LBB2_12-.Ltmp9, $2  }
0xb2: {  	_ =	sdelay $0x2  }
0xb3: {  	s7 =	simm.s32 $0x1;
	s26 =	simm.s32 $0x100;
	s28 =	smov.u32 s18  }
.LBB2_13:
0xb4: {  	_ =	sfence.sel $0x180000  }
0xb5: {  	[bflag:$0x0] =	sbarrier.arrive $0xFFFF  }
0xb6: {  	_ =	strace $0x9000004A  }
0xb7: {  	[bflag:$0x2] =	sbarrier.arrive $0xFFFF  }
0xb8: {  	p0 =	sne.s32 s2, $0x0;
	s0 =	rddreg [dreg:$0x4]  }
0xb9: {  	s0 =	sadd.s32 @!p0 $0x100000, s0  }
0xba: {  	[sflag:s0] =	ssyncadd.tile.s32 @!p0 $0x1;
	_ =	shalt  }
.Lfunc_end2:
_tile_overlayer_lowered:
.L_overlay_start_2:
0xbb: {  	(tag) =	ssettag $0x2  }
0xbc: {  	s0 =	rddreg [dreg:$0x0];
	s2 =	stileid.u32  }
0xbd: {  	s1 =	rddreg [dreg:$0x1];
	p0 =	sne.s32 s2, $0x0  }
0xbe: {  	s3 =	rddreg [dreg:$0x2];
	[bflag:$0x3] =	sbarrier.arrive $0xFFFF;
	s2 =	simm.s32 @!p0 $0x1C03  }
0xbf: {  	[timem:s3], [sflag:s2] =	dma.local @!p0 [hbm:s0], s1  }
0xc0: {  	s0 =	simm.s32 @!p0 $0x3  }
0xc1: {  	_ =	swait.ge @!p0 [sflag:s0], s1  }
0xc2: {  	s1 =	ssub.s32 @!p0 $0x0, s1;
	[sflag:s0] =	ssyncset.done @!p0 $0x0  }
0xc3: {  	[sflag:s0] =	ssyncadd.s32 @!p0 s1  }
0xc4: {  	[bflag:$0x3] =	sbarrier.arrive $0xFFFF  }
0xc5: {  	_ =	shalt  }

</sc_bundles>
